<compile_context>
chip_gen: v7x
topology: tpu7x:2x2x1
jax: 0.10.2.dev20260603
libtpu: 0.0.44.dev20260713+nightly
codegen_flags: <defaults>
</compile_context>

<pallas_src>
import functools

import jax
import jax.numpy as jnp
from jax import lax
from jax.experimental import pallas as pl
from jax.experimental.pallas import tpu as pltpu
from jax.experimental.pallas import tpu_sc as plsc

NC = 2
NS = 16
L = 16
NW = NC * NS

CHUNK = 1024
NB = 5
DEPTH = 2


@functools.cache
def _sc_edge_kernel(n_nodes: int, n_acc: int, edges_per_tile: int):
    zslice = n_acc // NS
    full_chunks = edges_per_tile // CHUNK
    loop_chunks = full_chunks - full_chunks % NB
    post = full_chunks - loop_chunks
    tail = edges_per_tile - full_chunks * CHUNK

    mesh = plsc.VectorSubcoreMesh(core_axis_name="c", subcore_axis_name="s")

    idx_buf = pltpu.VMEM((CHUNK,), jnp.int32)
    val_buf = pltpu.VMEM((CHUNK,), jnp.float32)
    tail_i = pltpu.VMEM((max(tail, L),), jnp.int32)
    tail_v = pltpu.VMEM((max(tail, L),), jnp.float32)

    @functools.partial(
        pl.kernel,
        mesh=mesh,
        compiler_params=pltpu.CompilerParams(needs_layout_passes=False),
        out_type=jax.ShapeDtypeStruct((NC, n_acc), jnp.float32),
        scratch_types=[
            pltpu.VMEM((n_nodes,), jnp.float32),
            [idx_buf] * NB,
            [idx_buf] * NB,
            [val_buf] * NB,
            [val_buf] * NB,
            [tail_i, tail_i, tail_v, tail_v],
            pltpu.VMEM_SHARED((n_acc,), jnp.float32),
            [pltpu.SemaphoreType.DMA] * NB,
            [pltpu.SemaphoreType.DMA] * NB,
            pltpu.SemaphoreType.DMA,
            pltpu.SemaphoreType.DMA,
        ],
    )
    def sc_kernel(nodes_hbm, row_hbm, col_hbm, ev_hbm, zeros_hbm, out_hbm,
                  nodes_v, rbufs, cbufs, ebufs, lbufs, tbufs, acc_sh,
                  in_sems, sc_sems, t_sem, n_sem):
        c = lax.axis_index("c")
        s = lax.axis_index("s")
        wid = s * NC + c
        base_edge = wid * edges_per_tile

        def in_descs(ci, slot):
            sl = pl.ds(base_edge + ci * CHUNK, CHUNK)
            sem = in_sems[slot]
            return (
                pltpu.make_async_copy(row_hbm.at[sl], rbufs[slot], sem),
                pltpu.make_async_copy(col_hbm.at[sl], cbufs[slot], sem),
                pltpu.make_async_copy(ev_hbm.at[sl], ebufs[slot], sem),
            )

        def tail_descs():
            sl = pl.ds(base_edge + full_chunks * CHUNK, tail)
            return (
                pltpu.make_async_copy(row_hbm.at[sl], tbufs[0], t_sem),
                pltpu.make_async_copy(col_hbm.at[sl], tbufs[1], t_sem),
                pltpu.make_async_copy(ev_hbm.at[sl], tbufs[2], t_sem),
            )

        def sc_desc(slot):
            return pltpu.make_async_copy(
                lbufs[slot], acc_sh.at[cbufs[slot]], sc_sems[slot])

        def edge_block(rbuf, cbuf, ebuf, lbuf, n_edges):
            @plsc.parallel_loop(0, n_edges, L, unroll=4)
            def _k(k):
                sl = pl.ds(k, L)
                ir = rbuf[sl]
                ic = cbuf[sl]
                e = ebuf[sl]
                src = plsc.load_gather(nodes_v, [ir])
                dst = plsc.load_gather(nodes_v, [ic])
                m = (src * e) > 0
                lbuf[sl] = jnp.where(m, (dst - src) / e, jnp.float32(0.0))

        nsplit = next(k for k in (10, 8, 5, 4, 2, 1)
                      if n_nodes % k == 0 and (n_nodes // k) % 8 == 0)
        npart = n_nodes // nsplit
        node_descs = [
            pltpu.make_async_copy(nodes_hbm.at[pl.ds(i * npart, npart)],
                                  nodes_v.at[pl.ds(i * npart, npart)],
                                  n_sem)
            for i in range(nsplit)
        ]
        for d in node_descs:
            d.start()

        if tail:
            for d in tail_descs():
                d.start()

        for ci in range(min(DEPTH, full_chunks)):
            for d in in_descs(ci, ci % NB):
                d.start()

        pltpu.sync_copy(zeros_hbm.at[pl.ds(s * zslice, zslice)],
                        acc_sh.at[pl.ds(s * zslice, zslice)])
        for d in node_descs:
            d.wait()
        plsc.subcore_barrier()

        @pl.loop(0, loop_chunks, step=NB)
        def _group(bi):
            for p in range(NB):
                ci = bi + p
                fslot = (p + DEPTH) % NB
                if p >= NB - DEPTH:
                    sc_desc(fslot).wait()

                    @pl.when(ci + DEPTH < full_chunks)
                    def _():
                        for d in in_descs(ci + DEPTH, fslot):
                            d.start()
                else:
                    @pl.when(bi > 0)
                    def _():
                        sc_desc(fslot).wait()

                    for d in in_descs(ci + DEPTH, fslot):
                        d.start()

                for d in in_descs(ci, p):
                    d.wait()
                edge_block(rbufs[p], cbufs[p], ebufs[p], lbufs[p], CHUNK)
                sc_desc(p).start(add=True)

        for i in range(post):
            ci = loop_chunks + i
            slot = ci % NB
            if i >= DEPTH:
                sc_desc(slot).wait()
                for d in in_descs(ci, slot):
                    d.start()
            for d in in_descs(ci, slot):
                d.wait()
            edge_block(rbufs[slot], cbufs[slot], ebufs[slot], lbufs[slot],
                       CHUNK)
            sc_desc(slot).start(add=True)

        if tail:
            for d in tail_descs():
                d.wait()
            edge_block(tbufs[0], tbufs[1], tbufs[2], tbufs[3], tail)
            pltpu.sync_copy(tbufs[3], acc_sh.at[tbufs[1]], add=True)

        drained = set(range(max(0, loop_chunks - (NB - DEPTH))))
        drained |= {loop_chunks + i - NB for i in range(DEPTH, post)}
        for cj in range(full_chunks):
            if cj not in drained:
                sc_desc(cj % NB).wait()

        plsc.subcore_barrier()

        pltpu.sync_copy(acc_sh.at[pl.ds(s * zslice, zslice)],
                        out_hbm.at[c, pl.ds(s * zslice, zslice)])

    return sc_kernel


@functools.cache
def _tc_sum_kernel(n_acc: int):
    def body(p_ref, o_ref):
        o_ref[...] = p_ref[0] + p_ref[1]

    return pl.pallas_call(
        body,
        out_shape=jax.ShapeDtypeStruct((n_acc // 128, 128), jnp.float32),
    )


def kernel(x, edge_index, edge_attr):
    n = x.shape[0]
    e_cnt = edge_index.shape[1]

    nodes = x[:, 0]
    row = edge_index[0].astype(jnp.int32)
    col = edge_index[1].astype(jnp.int32)
    ev = edge_attr[:, 0]

    grain = NW * L
    e_pad = -(-e_cnt // grain) * grain
    pad = e_pad - e_cnt
    if pad:
        row = jnp.concatenate([row, jnp.zeros((pad,), jnp.int32)])
        col = jnp.concatenate([col, jnp.zeros((pad,), jnp.int32)])
        ev = jnp.concatenate([ev, jnp.zeros((pad,), jnp.float32)])

    n_acc = -(-n // 2048) * 2048
    sc = _sc_edge_kernel(n, n_acc, e_pad // NW)
    partial = sc(nodes, row, col, ev, jnp.zeros((n_acc,), jnp.float32))

    summed = _tc_sum_kernel(n_acc)(partial.reshape(NC, n_acc // 128, 128))
    return summed.reshape(-1)[:n]

# --- scband reference (transcript-rebuilt; emitter-appended) ---
"""Pipeline reference for scband-spatial-burger-derivative-operator-51273319580074 (READ-ONLY COPY).

The authoritative reference and input builder live on the scoring server;
editing this copy changes nothing except your own understanding.
"""

import jax, jax.numpy as jnp
import numpy as np

N_NODES = 100000
N_EDGES = 3200000
D_FEAT = 128
D_EDGE = 4
IDX_NODE = 0
IDX_EDGE = 0


def setup_inputs(seed: int = 0) -> dict:
    key = jax.random.key(seed)
    k1, k2, k3 = jax.random.split(key, 3)
    x = jax.random.normal(k1, (N_NODES, D_FEAT), dtype=jnp.float32)
    edge_index = jax.random.randint(k2, (2, N_EDGES), 0, N_NODES, dtype=jnp.int64)
    edge_attr = jax.random.normal(k3, (N_EDGES, D_EDGE), dtype=jnp.float32)
    return {"x": x, "edge_index": edge_index, "edge_attr": edge_attr}


def reference(x, edge_index, edge_attr):
    # SpatialBurgerDerivativeOperator.forward
    nodes_input = x[:, IDX_NODE]                 # [N]
    edges_input = edge_attr[:, IDX_EDGE]         # [E]

    row = edge_index[0]
    col = edge_index[1]

    # EdgeSpatialUpWindDerivative: upwind local derivative per edge
    src = jnp.take(nodes_input, row, axis=0)     # gather [E]
    dest = jnp.take(nodes_input, col, axis=0)    # gather [E]
    mask = (src * edges_input) > 0
    safe_e = jnp.where(mask, edges_input, 1.0)   # avoid div-by-~0 in masked branch
    local_derivative = jnp.where(mask, (dest - src) / safe_e, 0.0)  # [E]

    # NodeSpatialBurgerDerivative: scatter_sum over destination nodes
    derivative = jax.ops.segment_sum(local_derivative, col, num_segments=x.shape[0])  # [N]
    return derivative

if __name__ == "__main__":
    import jax
    _d = setup_inputs()
    print(jax.jit(kernel)(*tuple(_d.values())))

</pallas_src>

<mosaic_0001>
#map = affine_map<(d0, d1) -> (0)>
#map1 = affine_map<(d0, d1) -> (0, 0)>
module attributes {stable_mosaic.version = 14 : i64} {
  func.func @sc_kernel(%arg0: i32, %arg1: i32, %arg2: memref<100000xf32, #tpu.memory_space<hbm>>, %arg3: memref<3200000xi32, #tpu.memory_space<hbm>>, %arg4: memref<3200000xi32, #tpu.memory_space<hbm>>, %arg5: memref<3200000xf32, #tpu.memory_space<hbm>>, %arg6: memref<100352xf32, #tpu.memory_space<hbm>>, %arg7: memref<2x100352xf32, #tpu.memory_space<hbm>>, %arg8: memref<100000xf32, #tpu.memory_space<vmem>>, %arg9: memref<1024xi32, #tpu.memory_space<vmem>>, %arg10: memref<1024xi32, #tpu.memory_space<vmem>>, %arg11: memref<1024xi32, #tpu.memory_space<vmem>>, %arg12: memref<1024xi32, #tpu.memory_space<vmem>>, %arg13: memref<1024xi32, #tpu.memory_space<vmem>>, %arg14: memref<1024xi32, #tpu.memory_space<vmem>>, %arg15: memref<1024xi32, #tpu.memory_space<vmem>>, %arg16: memref<1024xi32, #tpu.memory_space<vmem>>, %arg17: memref<1024xi32, #tpu.memory_space<vmem>>, %arg18: memref<1024xi32, #tpu.memory_space<vmem>>, %arg19: memref<1024xf32, #tpu.memory_space<vmem>>, %arg20: memref<1024xf32, #tpu.memory_space<vmem>>, %arg21: memref<1024xf32, #tpu.memory_space<vmem>>, %arg22: memref<1024xf32, #tpu.memory_space<vmem>>, %arg23: memref<1024xf32, #tpu.memory_space<vmem>>, %arg24: memref<1024xf32, #tpu.memory_space<vmem>>, %arg25: memref<1024xf32, #tpu.memory_space<vmem>>, %arg26: memref<1024xf32, #tpu.memory_space<vmem>>, %arg27: memref<1024xf32, #tpu.memory_space<vmem>>, %arg28: memref<1024xf32, #tpu.memory_space<vmem>>, %arg29: memref<672xi32, #tpu.memory_space<vmem>>, %arg30: memref<672xi32, #tpu.memory_space<vmem>>, %arg31: memref<672xf32, #tpu.memory_space<vmem>>, %arg32: memref<672xf32, #tpu.memory_space<vmem>>, %arg33: memref<100352xf32, #tpu.memory_space<vmem_shared>>, %arg34: memref<!tpu.dma_semaphore, #tpu.memory_space<semaphore_mem>>, %arg35: memref<!tpu.dma_semaphore, #tpu.memory_space<semaphore_mem>>, %arg36: memref<!tpu.dma_semaphore, #tpu.memory_space<semaphore_mem>>, %arg37: memref<!tpu.dma_semaphore, #tpu.memory_space<semaphore_mem>>, %arg38: memref<!tpu.dma_semaphore, #tpu.memory_space<semaphore_mem>>, %arg39: memref<!tpu.dma_semaphore, #tpu.memory_space<semaphore_mem>>, %arg40: memref<!tpu.dma_semaphore, #tpu.memory_space<semaphore_mem>>, %arg41: memref<!tpu.dma_semaphore, #tpu.memory_space<semaphore_mem>>, %arg42: memref<!tpu.dma_semaphore, #tpu.memory_space<semaphore_mem>>, %arg43: memref<!tpu.dma_semaphore, #tpu.memory_space<semaphore_mem>>, %arg44: memref<!tpu.dma_semaphore, #tpu.memory_space<semaphore_mem>>, %arg45: memref<!tpu.dma_semaphore, #tpu.memory_space<semaphore_mem>>) attributes {dimension_semantics = [#tpu.dimension_semantics<core_parallel>, #tpu.dimension_semantics<subcore_parallel>], iteration_bounds = array<i64: 2, 16>, scalar_prefetch = 0 : i64, scratch_operands = 38 : i64, tpu.core_type = #tpu.core_type<sc_vector_subcore>, window_params = [{transform_indices = #map}, {transform_indices = #map}, {transform_indices = #map}, {transform_indices = #map}, {transform_indices = #map}, {transform_indices = #map1}]} {
    %mul3A = arith.constant 2 : i32
    %mul3A_0 = arith.muli %arg1, %mul3A : i32
    %add3A = arith.addi %mul3A_0, %arg0 : i32
    %mul3A_1 = arith.constant 100000 : i32
    %mul3A_2 = arith.muli %add3A, %mul3A_1 : i32
    %dma_start3A = arith.constant 0 : i32
    %dma_start3A_3 = tpu.memref_slice %arg8[%dma_start3A] : memref<100000xf32, #tpu.memory_space<vmem>> -> memref<10000xf32, #tpu.memory_space<vmem>>
    %dma_start3A_4 = arith.constant 0 : i32
    %dma_start3A_5 = tpu.memref_slice %arg2[%dma_start3A_4] : memref<100000xf32, #tpu.memory_space<hbm>> -> memref<10000xf32, #tpu.memory_space<hbm>>
    %dma_start3A_6 = arith.constant 0 : i32
    %dma_start3A_7 = tpu.memref_slice %arg8[%dma_start3A_6] : memref<100000xf32, #tpu.memory_space<vmem>> -> memref<10000xf32, #tpu.memory_space<vmem>>
    %dma_start3A_8 = arith.constant 0 : i32
    %dma_start3A_9 = tpu.memref_slice %arg2[%dma_start3A_8] : memref<100000xf32, #tpu.memory_space<hbm>> -> memref<10000xf32, #tpu.memory_space<hbm>>
    tpu.enqueue_dma source(%dma_start3A_9 : memref<10000xf32, #tpu.memory_space<hbm>>) target(%dma_start3A_7 : memref<10000xf32, #tpu.memory_space<vmem>>) target_semaphore(%arg45 : memref<!tpu.dma_semaphore, #tpu.memory_space<semaphore_mem>>)
    %dma_start3A_10 = arith.constant 10000 : i32
    %dma_start3A_11 = tpu.memref_slice %arg8[%dma_start3A_10] : memref<100000xf32, #tpu.memory_space<vmem>> -> memref<10000xf32, #tpu.memory_space<vmem>>
    %dma_start3A_12 = arith.constant 10000 : i32
    %dma_start3A_13 = tpu.memref_slice %arg2[%dma_start3A_12] : memref<100000xf32, #tpu.memory_space<hbm>> -> memref<10000xf32, #tpu.memory_space<hbm>>
    %dma_start3A_14 = arith.constant 10000 : i32
    %dma_start3A_15 = tpu.memref_slice %arg8[%dma_start3A_14] : memref<100000xf32, #tpu.memory_space<vmem>> -> memref<10000xf32, #tpu.memory_space<vmem>>
    %dma_start3A_16 = arith.constant 10000 : i32
    %dma_start3A_17 = tpu.memref_slice %arg2[%dma_start3A_16] : memref<100000xf32, #tpu.memory_space<hbm>> -> memref<10000xf32, #tpu.memory_space<hbm>>
    tpu.enqueue_dma source(%dma_start3A_17 : memref<10000xf32, #tpu.memory_space<hbm>>) target(%dma_start3A_15 : memref<10000xf32, #tpu.memory_space<vmem>>) target_semaphore(%arg45 : memref<!tpu.dma_semaphore, #tpu.memory_space<semaphore_mem>>)
    %dma_start3A_18 = arith.constant 20000 : i32
    %dma_start3A_19 = tpu.memref_slice %arg8[%dma_start3A_18] : memref<100000xf32, #tpu.memory_space<vmem>> -> memref<10000xf32, #tpu.memory_space<vmem>>
    %dma_start3A_20 = arith.constant 20000 : i32
    %dma_start3A_21 = tpu.memref_slice %arg2[%dma_start3A_20] : memref<100000xf32, #tpu.memory_space<hbm>> -> memref<10000xf32, #tpu.memory_space<hbm>>
    %dma_start3A_22 = arith.constant 20000 : i32
    %dma_start3A_23 = tpu.memref_slice %arg8[%dma_start3A_22] : memref<100000xf32, #tpu.memory_space<vmem>> -> memref<10000xf32, #tpu.memory_space<vmem>>
    %dma_start3A_24 = arith.constant 20000 : i32
    %dma_start3A_25 = tpu.memref_slice %arg2[%dma_start3A_24] : memref<100000xf32, #tpu.memory_space<hbm>> -> memref<10000xf32, #tpu.memory_space<hbm>>
    tpu.enqueue_dma source(%dma_start3A_25 : memref<10000xf32, #tpu.memory_space<hbm>>) target(%dma_start3A_23 : memref<10000xf32, #tpu.memory_space<vmem>>) target_semaphore(%arg45 : memref<!tpu.dma_semaphore, #tpu.memory_space<semaphore_mem>>)
    %dma_start3A_26 = arith.constant 30000 : i32
    %dma_start3A_27 = tpu.memref_slice %arg8[%dma_start3A_26] : memref<100000xf32, #tpu.memory_space<vmem>> -> memref<10000xf32, #tpu.memory_space<vmem>>
    %dma_start3A_28 = arith.constant 30000 : i32
    %dma_start3A_29 = tpu.memref_slice %arg2[%dma_start3A_28] : memref<100000xf32, #tpu.memory_space<hbm>> -> memref<10000xf32, #tpu.memory_space<hbm>>
    %dma_start3A_30 = arith.constant 30000 : i32
    %dma_start3A_31 = tpu.memref_slice %arg8[%dma_start3A_30] : memref<100000xf32, #tpu.memory_space<vmem>> -> memref<10000xf32, #tpu.memory_space<vmem>>
    %dma_start3A_32 = arith.constant 30000 : i32
    %dma_start3A_33 = tpu.memref_slice %arg2[%dma_start3A_32] : memref<100000xf32, #tpu.memory_space<hbm>> -> memref<10000xf32, #tpu.memory_space<hbm>>
    tpu.enqueue_dma source(%dma_start3A_33 : memref<10000xf32, #tpu.memory_space<hbm>>) target(%dma_start3A_31 : memref<10000xf32, #tpu.memory_space<vmem>>) target_semaphore(%arg45 : memref<!tpu.dma_semaphore, #tpu.memory_space<semaphore_mem>>)
    %dma_start3A_34 = arith.constant 40000 : i32
    %dma_start3A_35 = tpu.memref_slice %arg8[%dma_start3A_34] : memref<100000xf32, #tpu.memory_space<vmem>> -> memref<10000xf32, #tpu.memory_space<vmem>>
    %dma_start3A_36 = arith.constant 40000 : i32
    %dma_start3A_37 = tpu.memref_slice %arg2[%dma_start3A_36] : memref<100000xf32, #tpu.memory_space<hbm>> -> memref<10000xf32, #tpu.memory_space<hbm>>
    %dma_start3A_38 = arith.constant 40000 : i32
    %dma_start3A_39 = tpu.memref_slice %arg8[%dma_start3A_38] : memref<100000xf32, #tpu.memory_space<vmem>> -> memref<10000xf32, #tpu.memory_space<vmem>>
    %dma_start3A_40 = arith.constant 40000 : i32
    %dma_start3A_41 = tpu.memref_slice %arg2[%dma_start3A_40] : memref<100000xf32, #tpu.memory_space<hbm>> -> memref<10000xf32, #tpu.memory_space<hbm>>
    tpu.enqueue_dma source(%dma_start3A_41 : memref<10000xf32, #tpu.memory_space<hbm>>) target(%dma_start3A_39 : memref<10000xf32, #tpu.memory_space<vmem>>) target_semaphore(%arg45 : memref<!tpu.dma_semaphore, #tpu.memory_space<semaphore_mem>>)
    %dma_start3A_42 = arith.constant 50000 : i32
    %dma_start3A_43 = tpu.memref_slice %arg8[%dma_start3A_42] : memref<100000xf32, #tpu.memory_space<vmem>> -> memref<10000xf32, #tpu.memory_space<vmem>>
    %dma_start3A_44 = arith.constant 50000 : i32
    %dma_start3A_45 = tpu.memref_slice %arg2[%dma_start3A_44] : memref<100000xf32, #tpu.memory_space<hbm>> -> memref<10000xf32, #tpu.memory_space<hbm>>
    %dma_start3A_46 = arith.constant 50000 : i32
    %dma_start3A_47 = tpu.memref_slice %arg8[%dma_start3A_46] : memref<100000xf32, #tpu.memory_space<vmem>> -> memref<10000xf32, #tpu.memory_space<vmem>>
    %dma_start3A_48 = arith.constant 50000 : i32
    %dma_start3A_49 = tpu.memref_slice %arg2[%dma_start3A_48] : memref<100000xf32, #tpu.memory_space<hbm>> -> memref<10000xf32, #tpu.memory_space<hbm>>
    tpu.enqueue_dma source(%dma_start3A_49 : memref<10000xf32, #tpu.memory_space<hbm>>) target(%dma_start3A_47 : memref<10000xf32, #tpu.memory_space<vmem>>) target_semaphore(%arg45 : memref<!tpu.dma_semaphore, #tpu.memory_space<semaphore_mem>>)
    %dma_start3A_50 = arith.constant 60000 : i32
    %dma_start3A_51 = tpu.memref_slice %arg8[%dma_start3A_50] : memref<100000xf32, #tpu.memory_space<vmem>> -> memref<10000xf32, #tpu.memory_space<vmem>>
    %dma_start3A_52 = arith.constant 60000 : i32
    %dma_start3A_53 = tpu.memref_slice %arg2[%dma_start3A_52] : memref<100000xf32, #tpu.memory_space<hbm>> -> memref<10000xf32, #tpu.memory_space<hbm>>
    %dma_start3A_54 = arith.constant 60000 : i32
    %dma_start3A_55 = tpu.memref_slice %arg8[%dma_start3A_54] : memref<100000xf32, #tpu.memory_space<vmem>> -> memref<10000xf32, #tpu.memory_space<vmem>>
    %dma_start3A_56 = arith.constant 60000 : i32
    %dma_start3A_57 = tpu.memref_slice %arg2[%dma_start3A_56] : memref<100000xf32, #tpu.memory_space<hbm>> -> memref<10000xf32, #tpu.memory_space<hbm>>
    tpu.enqueue_dma source(%dma_start3A_57 : memref<10000xf32, #tpu.memory_space<hbm>>) target(%dma_start3A_55 : memref<10000xf32, #tpu.memory_space<vmem>>) target_semaphore(%arg45 : memref<!tpu.dma_semaphore, #tpu.memory_space<semaphore_mem>>)
    %dma_start3A_58 = arith.constant 70000 : i32
    %dma_start3A_59 = tpu.memref_slice %arg8[%dma_start3A_58] : memref<100000xf32, #tpu.memory_space<vmem>> -> memref<10000xf32, #tpu.memory_space<vmem>>
    %dma_start3A_60 = arith.constant 70000 : i32
    %dma_start3A_61 = tpu.memref_slice %arg2[%dma_start3A_60] : memref<100000xf32, #tpu.memory_space<hbm>> -> memref<10000xf32, #tpu.memory_space<hbm>>
    %dma_start3A_62 = arith.constant 70000 : i32
    %dma_start3A_63 = tpu.memref_slice %arg8[%dma_start3A_62] : memref<100000xf32, #tpu.memory_space<vmem>> -> memref<10000xf32, #tpu.memory_space<vmem>>
    %dma_start3A_64 = arith.constant 70000 : i32
    %dma_start3A_65 = tpu.memref_slice %arg2[%dma_start3A_64] : memref<100000xf32, #tpu.memory_space<hbm>> -> memref<10000xf32, #tpu.memory_space<hbm>>
    tpu.enqueue_dma source(%dma_start3A_65 : memref<10000xf32, #tpu.memory_space<hbm>>) target(%dma_start3A_63 : memref<10000xf32, #tpu.memory_space<vmem>>) target_semaphore(%arg45 : memref<!tpu.dma_semaphore, #tpu.memory_space<semaphore_mem>>)
    %dma_start3A_66 = arith.constant 80000 : i32
    %dma_start3A_67 = tpu.memref_slice %arg8[%dma_start3A_66] : memref<100000xf32, #tpu.memory_space<vmem>> -> memref<10000xf32, #tpu.memory_space<vmem>>
    %dma_start3A_68 = arith.constant 80000 : i32
    %dma_start3A_69 = tpu.memref_slice %arg2[%dma_start3A_68] : memref<100000xf32, #tpu.memory_space<hbm>> -> memref<10000xf32, #tpu.memory_space<hbm>>
    %dma_start3A_70 = arith.constant 80000 : i32
    %dma_start3A_71 = tpu.memref_slice %arg8[%dma_start3A_70] : memref<100000xf32, #tpu.memory_space<vmem>> -> memref<10000xf32, #tpu.memory_space<vmem>>
    %dma_start3A_72 = arith.constant 80000 : i32
    %dma_start3A_73 = tpu.memref_slice %arg2[%dma_start3A_72] : memref<100000xf32, #tpu.memory_space<hbm>> -> memref<10000xf32, #tpu.memory_space<hbm>>
    tpu.enqueue_dma source(%dma_start3A_73 : memref<10000xf32, #tpu.memory_space<hbm>>) target(%dma_start3A_71 : memref<10000xf32, #tpu.memory_space<vmem>>) target_semaphore(%arg45 : memref<!tpu.dma_semaphore, #tpu.memory_space<semaphore_mem>>)
    %dma_start3A_74 = arith.constant 90000 : i32
    %dma_start3A_75 = tpu.memref_slice %arg8[%dma_start3A_74] : memref<100000xf32, #tpu.memory_space<vmem>> -> memref<10000xf32, #tpu.memory_space<vmem>>
    %dma_start3A_76 = arith.constant 90000 : i32
    %dma_start3A_77 = tpu.memref_slice %arg2[%dma_start3A_76] : memref<100000xf32, #tpu.memory_space<hbm>> -> memref<10000xf32, #tpu.memory_space<hbm>>
    %dma_start3A_78 = arith.constant 90000 : i32
    %dma_start3A_79 = tpu.memref_slice %arg8[%dma_start3A_78] : memref<100000xf32, #tpu.memory_space<vmem>> -> memref<10000xf32, #tpu.memory_space<vmem>>
    %dma_start3A_80 = arith.constant 90000 : i32
    %dma_start3A_81 = tpu.memref_slice %arg2[%dma_start3A_80] : memref<100000xf32, #tpu.memory_space<hbm>> -> memref<10000xf32, #tpu.memory_space<hbm>>
    tpu.enqueue_dma source(%dma_start3A_81 : memref<10000xf32, #tpu.memory_space<hbm>>) target(%dma_start3A_79 : memref<10000xf32, #tpu.memory_space<vmem>>) target_semaphore(%arg45 : memref<!tpu.dma_semaphore, #tpu.memory_space<semaphore_mem>>)
    %add3A_82 = arith.constant 99328 : i32
    %add3A_83 = arith.addi %mul3A_2, %add3A_82 : i32
    %dma_start3A_84 = tpu.memref_slice %arg3[%add3A_83] : memref<3200000xi32, #tpu.memory_space<hbm>> -> memref<672xi32, #tpu.memory_space<hbm>>
    %dma_start3A_85 = tpu.memref_slice %arg3[%add3A_83] : memref<3200000xi32, #tpu.memory_space<hbm>> -> memref<672xi32, #tpu.memory_space<hbm>>
    tpu.enqueue_dma source(%dma_start3A_85 : memref<672xi32, #tpu.memory_space<hbm>>) target(%arg29 : memref<672xi32, #tpu.memory_space<vmem>>) target_semaphore(%arg44 : memref<!tpu.dma_semaphore, #tpu.memory_space<semaphore_mem>>)
    %dma_start3A_86 = tpu.memref_slice %arg4[%add3A_83] : memref<3200000xi32, #tpu.memory_space<hbm>> -> memref<672xi32, #tpu.memory_space<hbm>>
    %dma_start3A_87 = tpu.memref_slice %arg4[%add3A_83] : memref<3200000xi32, #tpu.memory_space<hbm>> -> memref<672xi32, #tpu.memory_space<hbm>>
    tpu.enqueue_dma source(%dma_start3A_87 : memref<672xi32, #tpu.memory_space<hbm>>) target(%arg30 : memref<672xi32, #tpu.memory_space<vmem>>) target_semaphore(%arg44 : memref<!tpu.dma_semaphore, #tpu.memory_space<semaphore_mem>>)
    %dma_start3A_88 = tpu.memref_slice %arg5[%add3A_83] : memref<3200000xf32, #tpu.memory_space<hbm>> -> memref<672xf32, #tpu.memory_space<hbm>>
    %dma_start3A_89 = tpu.memref_slice %arg5[%add3A_83] : memref<3200000xf32, #tpu.memory_space<hbm>> -> memref<672xf32, #tpu.memory_space<hbm>>
    tpu.enqueue_dma source(%dma_start3A_89 : memref<672xf32, #tpu.memory_space<hbm>>) target(%arg31 : memref<672xf32, #tpu.memory_space<vmem>>) target_semaphore(%arg44 : memref<!tpu.dma_semaphore, #tpu.memory_space<semaphore_mem>>)
    %add3A_90 = arith.constant 0 : i32
    %add3A_91 = arith.addi %mul3A_2, %add3A_90 : i32
    %dma_start3A_92 = tpu.memref_slice %arg3[%add3A_91] : memref<3200000xi32, #tpu.memory_space<hbm>> -> memref<1024xi32, #tpu.memory_space<hbm>>
    %dma_start3A_93 = tpu.memref_slice %arg3[%add3A_91] : memref<3200000xi32, #tpu.memory_space<hbm>> -> memref<1024xi32, #tpu.memory_space<hbm>>
    tpu.enqueue_dma source(%dma_start3A_93 : memref<1024xi32, #tpu.memory_space<hbm>>) target(%arg9 : memref<1024xi32, #tpu.memory_space<vmem>>) target_semaphore(%arg34 : memref<!tpu.dma_semaphore, #tpu.memory_space<semaphore_mem>>)
    %dma_start3A_94 = tpu.memref_slice %arg4[%add3A_91] : memref<3200000xi32, #tpu.memory_space<hbm>> -> memref<1024xi32, #tpu.memory_space<hbm>>
    %dma_start3A_95 = tpu.memref_slice %arg4[%add3A_91] : memref<3200000xi32, #tpu.memory_space<hbm>> -> memref<1024xi32, #tpu.memory_space<hbm>>
    tpu.enqueue_dma source(%dma_start3A_95 : memref<1024xi32, #tpu.memory_space<hbm>>) target(%arg14 : memref<1024xi32, #tpu.memory_space<vmem>>) target_semaphore(%arg34 : memref<!tpu.dma_semaphore, #tpu.memory_space<semaphore_mem>>)
    %dma_start3A_96 = tpu.memref_slice %arg5[%add3A_91] : memref<3200000xf32, #tpu.memory_space<hbm>> -> memref<1024xf32, #tpu.memory_space<hbm>>
    %dma_start3A_97 = tpu.memref_slice %arg5[%add3A_91] : memref<3200000xf32, #tpu.memory_space<hbm>> -> memref<1024xf32, #tpu.memory_space<hbm>>
    tpu.enqueue_dma source(%dma_start3A_97 : memref<1024xf32, #tpu.memory_space<hbm>>) target(%arg19 : memref<1024xf32, #tpu.memory_space<vmem>>) target_semaphore(%arg34 : memref<!tpu.dma_semaphore, #tpu.memory_space<semaphore_mem>>)
    %add3A_98 = arith.constant 1024 : i32
    %add3A_99 = arith.addi %mul3A_2, %add3A_98 : i32
    %dma_start3A_100 = tpu.memref_slice %arg3[%add3A_99] : memref<3200000xi32, #tpu.memory_space<hbm>> -> memref<1024xi32, #tpu.memory_space<hbm>>
    %dma_start3A_101 = tpu.memref_slice %arg3[%add3A_99] : memref<3200000xi32, #tpu.memory_space<hbm>> -> memref<1024xi32, #tpu.memory_space<hbm>>
    tpu.enqueue_dma source(%dma_start3A_101 : memref<1024xi32, #tpu.memory_space<hbm>>) target(%arg10 : memref<1024xi32, #tpu.memory_space<vmem>>) target_semaphore(%arg35 : memref<!tpu.dma_semaphore, #tpu.memory_space<semaphore_mem>>)
    %dma_start3A_102 = tpu.memref_slice %arg4[%add3A_99] : memref<3200000xi32, #tpu.memory_space<hbm>> -> memref<1024xi32, #tpu.memory_space<hbm>>
    %dma_start3A_103 = tpu.memref_slice %arg4[%add3A_99] : memref<3200000xi32, #tpu.memory_space<hbm>> -> memref<1024xi32, #tpu.memory_space<hbm>>
    tpu.enqueue_dma source(%dma_start3A_103 : memref<1024xi32, #tpu.memory_space<hbm>>) target(%arg15 : memref<1024xi32, #tpu.memory_space<vmem>>) target_semaphore(%arg35 : memref<!tpu.dma_semaphore, #tpu.memory_space<semaphore_mem>>)
    %dma_start3A_104 = tpu.memref_slice %arg5[%add3A_99] : memref<3200000xf32, #tpu.memory_space<hbm>> -> memref<1024xf32, #tpu.memory_space<hbm>>
    %dma_start3A_105 = tpu.memref_slice %arg5[%add3A_99] : memref<3200000xf32, #tpu.memory_space<hbm>> -> memref<1024xf32, #tpu.memory_space<hbm>>
    tpu.enqueue_dma source(%dma_start3A_105 : memref<1024xf32, #tpu.memory_space<hbm>>) target(%arg20 : memref<1024xf32, #tpu.memory_space<vmem>>) target_semaphore(%arg35 : memref<!tpu.dma_semaphore, #tpu.memory_space<semaphore_mem>>)
    %mul3A_106 = arith.constant 6272 : i32
    %mul3A_107 = arith.muli %arg1, %mul3A_106 : i32
    %mul3A_108 = arith.constant 6272 : i32
    %mul3A_109 = arith.muli %arg1, %mul3A_108 : i32
    "tpu.region"() ({
      %run_scoped3A = tpu.sem_alloc : memref<!tpu.dma_semaphore, #tpu.memory_space<semaphore_mem>>
      %dma_start3A_244 = tpu.memref_slice %arg33[%mul3A_109] : memref<100352xf32, #tpu.memory_space<vmem_shared>> -> memref<6272xf32, #tpu.memory_space<vmem_shared>>
      %dma_start3A_245 = tpu.memref_slice %arg6[%mul3A_107] : memref<100352xf32, #tpu.memory_space<hbm>> -> memref<6272xf32, #tpu.memory_space<hbm>>
      tpu.enqueue_dma source(%dma_start3A_245 : memref<6272xf32, #tpu.memory_space<hbm>>) target(%dma_start3A_244 : memref<6272xf32, #tpu.memory_space<vmem_shared>>) target_semaphore(%run_scoped3A : memref<!tpu.dma_semaphore, #tpu.memory_space<semaphore_mem>>)
      %dma_wait3A_246 = tpu.memref_slice %arg33[%mul3A_109] : memref<100352xf32, #tpu.memory_space<vmem_shared>> -> memref<6272xf32, #tpu.memory_space<vmem_shared>>
      %dma_wait3A_247 = tpu.memref_slice %arg6[%mul3A_107] : memref<100352xf32, #tpu.memory_space<hbm>> -> memref<6272xf32, #tpu.memory_space<hbm>>
      tpu.wait_dma2 semaphore(%run_scoped3A : memref<!tpu.dma_semaphore, #tpu.memory_space<semaphore_mem>>) src(%dma_wait3A_247 : memref<6272xf32, #tpu.memory_space<hbm>>) dst(%dma_wait3A_246 : memref<6272xf32, #tpu.memory_space<vmem_shared>>)
      tpu.yield
    }) : () -> ()
    %dma_wait3A = arith.constant 0 : i32
    %dma_wait3A_110 = tpu.memref_slice %arg8[%dma_wait3A] : memref<100000xf32, #tpu.memory_space<vmem>> -> memref<10000xf32, #tpu.memory_space<vmem>>
    %dma_wait3A_111 = arith.constant 0 : i32
    %dma_wait3A_112 = tpu.memref_slice %arg2[%dma_wait3A_111] : memref<100000xf32, #tpu.memory_space<hbm>> -> memref<10000xf32, #tpu.memory_space<hbm>>
    %dma_wait3A_113 = arith.constant 0 : i32
    %dma_wait3A_114 = tpu.memref_slice %arg8[%dma_wait3A_113] : memref<100000xf32, #tpu.memory_space<vmem>> -> memref<10000xf32, #tpu.memory_space<vmem>>
    %dma_wait3A_115 = arith.constant 0 : i32
    %dma_wait3A_116 = tpu.memref_slice %arg2[%dma_wait3A_115] : memref<100000xf32, #tpu.memory_space<hbm>> -> memref<10000xf32, #tpu.memory_space<hbm>>
    tpu.wait_dma2 semaphore(%arg45 : memref<!tpu.dma_semaphore, #tpu.memory_space<semaphore_mem>>) src(%dma_wait3A_116 : memref<10000xf32, #tpu.memory_space<hbm>>) dst(%dma_wait3A_114 : memref<10000xf32, #tpu.memory_space<vmem>>)
    %dma_wait3A_117 = arith.constant 10000 : i32
    %dma_wait3A_118 = tpu.memref_slice %arg8[%dma_wait3A_117] : memref<100000xf32, #tpu.memory_space<vmem>> -> memref<10000xf32, #tpu.memory_space<vmem>>
    %dma_wait3A_119 = arith.constant 10000 : i32
    %dma_wait3A_120 = tpu.memref_slice %arg2[%dma_wait3A_119] : memref<100000xf32, #tpu.memory_space<hbm>> -> memref<10000xf32, #tpu.memory_space<hbm>>
    %dma_wait3A_121 = arith.constant 10000 : i32
    %dma_wait3A_122 = tpu.memref_slice %arg8[%dma_wait3A_121] : memref<100000xf32, #tpu.memory_space<vmem>> -> memref<10000xf32, #tpu.memory_space<vmem>>
    %dma_wait3A_123 = arith.constant 10000 : i32
    %dma_wait3A_124 = tpu.memref_slice %arg2[%dma_wait3A_123] : memref<100000xf32, #tpu.memory_space<hbm>> -> memref<10000xf32, #tpu.memory_space<hbm>>
    tpu.wait_dma2 semaphore(%arg45 : memref<!tpu.dma_semaphore, #tpu.memory_space<semaphore_mem>>) src(%dma_wait3A_124 : memref<10000xf32, #tpu.memory_space<hbm>>) dst(%dma_wait3A_122 : memref<10000xf32, #tpu.memory_space<vmem>>)
    %dma_wait3A_125 = arith.constant 20000 : i32
    %dma_wait3A_126 = tpu.memref_slice %arg8[%dma_wait3A_125] : memref<100000xf32, #tpu.memory_space<vmem>> -> memref<10000xf32, #tpu.memory_space<vmem>>
    %dma_wait3A_127 = arith.constant 20000 : i32
    %dma_wait3A_128 = tpu.memref_slice %arg2[%dma_wait3A_127] : memref<100000xf32, #tpu.memory_space<hbm>> -> memref<10000xf32, #tpu.memory_space<hbm>>
    %dma_wait3A_129 = arith.constant 20000 : i32
    %dma_wait3A_130 = tpu.memref_slice %arg8[%dma_wait3A_129] : memref<100000xf32, #tpu.memory_space<vmem>> -> memref<10000xf32, #tpu.memory_space<vmem>>
    %dma_wait3A_131 = arith.constant 20000 : i32
    %dma_wait3A_132 = tpu.memref_slice %arg2[%dma_wait3A_131] : memref<100000xf32, #tpu.memory_space<hbm>> -> memref<10000xf32, #tpu.memory_space<hbm>>
    tpu.wait_dma2 semaphore(%arg45 : memref<!tpu.dma_semaphore, #tpu.memory_space<semaphore_mem>>) src(%dma_wait3A_132 : memref<10000xf32, #tpu.memory_space<hbm>>) dst(%dma_wait3A_130 : memref<10000xf32, #tpu.memory_space<vmem>>)
    %dma_wait3A_133 = arith.constant 30000 : i32
    %dma_wait3A_134 = tpu.memref_slice %arg8[%dma_wait3A_133] : memref<100000xf32, #tpu.memory_space<vmem>> -> memref<10000xf32, #tpu.memory_space<vmem>>
    %dma_wait3A_135 = arith.constant 30000 : i32
    %dma_wait3A_136 = tpu.memref_slice %arg2[%dma_wait3A_135] : memref<100000xf32, #tpu.memory_space<hbm>> -> memref<10000xf32, #tpu.memory_space<hbm>>
    %dma_wait3A_137 = arith.constant 30000 : i32
    %dma_wait3A_138 = tpu.memref_slice %arg8[%dma_wait3A_137] : memref<100000xf32, #tpu.memory_space<vmem>> -> memref<10000xf32, #tpu.memory_space<vmem>>
    %dma_wait3A_139 = arith.constant 30000 : i32
    %dma_wait3A_140 = tpu.memref_slice %arg2[%dma_wait3A_139] : memref<100000xf32, #tpu.memory_space<hbm>> -> memref<10000xf32, #tpu.memory_space<hbm>>
    tpu.wait_dma2 semaphore(%arg45 : memref<!tpu.dma_semaphore, #tpu.memory_space<semaphore_mem>>) src(%dma_wait3A_140 : memref<10000xf32, #tpu.memory_space<hbm>>) dst(%dma_wait3A_138 : memref<10000xf32, #tpu.memory_space<vmem>>)
    %dma_wait3A_141 = arith.constant 40000 : i32
    %dma_wait3A_142 = tpu.memref_slice %arg8[%dma_wait3A_141] : memref<100000xf32, #tpu.memory_space<vmem>> -> memref<10000xf32, #tpu.memory_space<vmem>>
    %dma_wait3A_143 = arith.constant 40000 : i32
    %dma_wait3A_144 = tpu.memref_slice %arg2[%dma_wait3A_143] : memref<100000xf32, #tpu.memory_space<hbm>> -> memref<10000xf32, #tpu.memory_space<hbm>>
    %dma_wait3A_145 = arith.constant 40000 : i32
    %dma_wait3A_146 = tpu.memref_slice %arg8[%dma_wait3A_145] : memref<100000xf32, #tpu.memory_space<vmem>> -> memref<10000xf32, #tpu.memory_space<vmem>>
    %dma_wait3A_147 = arith.constant 40000 : i32
    %dma_wait3A_148 = tpu.memref_slice %arg2[%dma_wait3A_147] : memref<100000xf32, #tpu.memory_space<hbm>> -> memref<10000xf32, #tpu.memory_space<hbm>>
    tpu.wait_dma2 semaphore(%arg45 : memref<!tpu.dma_semaphore, #tpu.memory_space<semaphore_mem>>) src(%dma_wait3A_148 : memref<10000xf32, #tpu.memory_space<hbm>>) dst(%dma_wait3A_146 : memref<10000xf32, #tpu.memory_space<vmem>>)
    %dma_wait3A_149 = arith.constant 50000 : i32
    %dma_wait3A_150 = tpu.memref_slice %arg8[%dma_wait3A_149] : memref<100000xf32, #tpu.memory_space<vmem>> -> memref<10000xf32, #tpu.memory_space<vmem>>
    %dma_wait3A_151 = arith.constant 50000 : i32
    %dma_wait3A_152 = tpu.memref_slice %arg2[%dma_wait3A_151] : memref<100000xf32, #tpu.memory_space<hbm>> -> memref<10000xf32, #tpu.memory_space<hbm>>
    %dma_wait3A_153 = arith.constant 50000 : i32
    %dma_wait3A_154 = tpu.memref_slice %arg8[%dma_wait3A_153] : memref<100000xf32, #tpu.memory_space<vmem>> -> memref<10000xf32, #tpu.memory_space<vmem>>
    %dma_wait3A_155 = arith.constant 50000 : i32
    %dma_wait3A_156 = tpu.memref_slice %arg2[%dma_wait3A_155] : memref<100000xf32, #tpu.memory_space<hbm>> -> memref<10000xf32, #tpu.memory_space<hbm>>
    tpu.wait_dma2 semaphore(%arg45 : memref<!tpu.dma_semaphore, #tpu.memory_space<semaphore_mem>>) src(%dma_wait3A_156 : memref<10000xf32, #tpu.memory_space<hbm>>) dst(%dma_wait3A_154 : memref<10000xf32, #tpu.memory_space<vmem>>)
    %dma_wait3A_157 = arith.constant 60000 : i32
    %dma_wait3A_158 = tpu.memref_slice %arg8[%dma_wait3A_157] : memref<100000xf32, #tpu.memory_space<vmem>> -> memref<10000xf32, #tpu.memory_space<vmem>>
    %dma_wait3A_159 = arith.constant 60000 : i32
    %dma_wait3A_160 = tpu.memref_slice %arg2[%dma_wait3A_159] : memref<100000xf32, #tpu.memory_space<hbm>> -> memref<10000xf32, #tpu.memory_space<hbm>>
    %dma_wait3A_161 = arith.constant 60000 : i32
    %dma_wait3A_162 = tpu.memref_slice %arg8[%dma_wait3A_161] : memref<100000xf32, #tpu.memory_space<vmem>> -> memref<10000xf32, #tpu.memory_space<vmem>>
    %dma_wait3A_163 = arith.constant 60000 : i32
    %dma_wait3A_164 = tpu.memref_slice %arg2[%dma_wait3A_163] : memref<100000xf32, #tpu.memory_space<hbm>> -> memref<10000xf32, #tpu.memory_space<hbm>>
    tpu.wait_dma2 semaphore(%arg45 : memref<!tpu.dma_semaphore, #tpu.memory_space<semaphore_mem>>) src(%dma_wait3A_164 : memref<10000xf32, #tpu.memory_space<hbm>>) dst(%dma_wait3A_162 : memref<10000xf32, #tpu.memory_space<vmem>>)
    %dma_wait3A_165 = arith.constant 70000 : i32
    %dma_wait3A_166 = tpu.memref_slice %arg8[%dma_wait3A_165] : memref<100000xf32, #tpu.memory_space<vmem>> -> memref<10000xf32, #tpu.memory_space<vmem>>
    %dma_wait3A_167 = arith.constant 70000 : i32
    %dma_wait3A_168 = tpu.memref_slice %arg2[%dma_wait3A_167] : memref<100000xf32, #tpu.memory_space<hbm>> -> memref<10000xf32, #tpu.memory_space<hbm>>
    %dma_wait3A_169 = arith.constant 70000 : i32
    %dma_wait3A_170 = tpu.memref_slice %arg8[%dma_wait3A_169] : memref<100000xf32, #tpu.memory_space<vmem>> -> memref<10000xf32, #tpu.memory_space<vmem>>
    %dma_wait3A_171 = arith.constant 70000 : i32
    %dma_wait3A_172 = tpu.memref_slice %arg2[%dma_wait3A_171] : memref<100000xf32, #tpu.memory_space<hbm>> -> memref<10000xf32, #tpu.memory_space<hbm>>
    tpu.wait_dma2 semaphore(%arg45 : memref<!tpu.dma_semaphore, #tpu.memory_space<semaphore_mem>>) src(%dma_wait3A_172 : memref<10000xf32, #tpu.memory_space<hbm>>) dst(%dma_wait3A_170 : memref<10000xf32, #tpu.memory_space<vmem>>)
    %dma_wait3A_173 = arith.constant 80000 : i32
    %dma_wait3A_174 = tpu.memref_slice %arg8[%dma_wait3A_173] : memref<100000xf32, #tpu.memory_space<vmem>> -> memref<10000xf32, #tpu.memory_space<vmem>>
    %dma_wait3A_175 = arith.constant 80000 : i32
    %dma_wait3A_176 = tpu.memref_slice %arg2[%dma_wait3A_175] : memref<100000xf32, #tpu.memory_space<hbm>> -> memref<10000xf32, #tpu.memory_space<hbm>>
    %dma_wait3A_177 = arith.constant 80000 : i32
    %dma_wait3A_178 = tpu.memref_slice %arg8[%dma_wait3A_177] : memref<100000xf32, #tpu.memory_space<vmem>> -> memref<10000xf32, #tpu.memory_space<vmem>>
    %dma_wait3A_179 = arith.constant 80000 : i32
    %dma_wait3A_180 = tpu.memref_slice %arg2[%dma_wait3A_179] : memref<100000xf32, #tpu.memory_space<hbm>> -> memref<10000xf32, #tpu.memory_space<hbm>>
    tpu.wait_dma2 semaphore(%arg45 : memref<!tpu.dma_semaphore, #tpu.memory_space<semaphore_mem>>) src(%dma_wait3A_180 : memref<10000xf32, #tpu.memory_space<hbm>>) dst(%dma_wait3A_178 : memref<10000xf32, #tpu.memory_space<vmem>>)
    %dma_wait3A_181 = arith.constant 90000 : i32
    %dma_wait3A_182 = tpu.memref_slice %arg8[%dma_wait3A_181] : memref<100000xf32, #tpu.memory_space<vmem>> -> memref<10000xf32, #tpu.memory_space<vmem>>
    %dma_wait3A_183 = arith.constant 90000 : i32
    %dma_wait3A_184 = tpu.memref_slice %arg2[%dma_wait3A_183] : memref<100000xf32, #tpu.memory_space<hbm>> -> memref<10000xf32, #tpu.memory_space<hbm>>
    %dma_wait3A_185 = arith.constant 90000 : i32
    %dma_wait3A_186 = tpu.memref_slice %arg8[%dma_wait3A_185] : memref<100000xf32, #tpu.memory_space<vmem>> -> memref<10000xf32, #tpu.memory_space<vmem>>
    %dma_wait3A_187 = arith.constant 90000 : i32
    %dma_wait3A_188 = tpu.memref_slice %arg2[%dma_wait3A_187] : memref<100000xf32, #tpu.memory_space<hbm>> -> memref<10000xf32, #tpu.memory_space<hbm>>
    tpu.wait_dma2 semaphore(%arg45 : memref<!tpu.dma_semaphore, #tpu.memory_space<semaphore_mem>>) src(%dma_wait3A_188 : memref<10000xf32, #tpu.memory_space<hbm>>) dst(%dma_wait3A_186 : memref<10000xf32, #tpu.memory_space<vmem>>)
    %barrier3A = arith.constant 0 : index
    tpu.barrier barrier_id(%barrier3A)
    %scan3A = arith.constant 0 : i32
    %scan3A_189 = arith.constant 19 : i32
    %scan3A_190 = arith.addi %scan3A, %scan3A_189 : i32
    %scan3A_191 = arith.constant 1 : i32
    scf.for %scan3A_244 = %scan3A to %scan3A_190 step %scan3A_191  : i32 {
      %mul3A_245 = arith.constant 5 : i32
      %mul3A_246 = arith.muli %scan3A_244, %mul3A_245 : i32
      %add3A_247 = arith.constant 0 : i32
      %add3A_248 = arith.addi %add3A_247, %mul3A_246 : i32
      %add3A_249 = arith.constant 0 : i32
      %add3A_250 = arith.addi %add3A_248, %add3A_249 : i32
      %gt3A = arith.constant 0 : i32
      %gt3A_251 = arith.cmpi sgt, %add3A_248, %gt3A : i32
      %convert_element_type3A = arith.extui %gt3A_251 : i1 to i32
      %cond3A = arith.constant 0 : i32
      %cond3A_252 = arith.cmpi ne, %convert_element_type3A, %cond3A : i32
      scf.if %cond3A_252 {
        %dma_wait3A_391 = arith.constant 0 : i32
        %dma_wait3A_392 = tpu.memref_slice %arg33[%dma_wait3A_391] : memref<100352xf32, #tpu.memory_space<vmem_shared>> -> memref<100352xf32, #tpu.memory_space<vmem_shared>>
        tpu.wait_indirect_dma semaphore(%arg41 : memref<!tpu.dma_semaphore, #tpu.memory_space<semaphore_mem>>) src(%arg26 : memref<1024xf32, #tpu.memory_space<vmem>>) dst(%dma_wait3A_392 : memref<100352xf32, #tpu.memory_space<vmem_shared>>)
      } else {
      }
      %add3A_253 = arith.constant 2 : i32
      %add3A_254 = arith.addi %add3A_250, %add3A_253 : i32
      %mul3A_255 = arith.constant 1024 : i32
      %mul3A_256 = arith.muli %add3A_254, %mul3A_255 : i32
      %add3A_257 = arith.addi %mul3A_2, %mul3A_256 : i32
      %dma_start3A_258 = tpu.memref_slice %arg3[%add3A_257] : memref<3200000xi32, #tpu.memory_space<hbm>> -> memref<1024xi32, #tpu.memory_space<hbm>>
      %dma_start3A_259 = tpu.memref_slice %arg3[%add3A_257] : memref<3200000xi32, #tpu.memory_space<hbm>> -> memref<1024xi32, #tpu.memory_space<hbm>>
      tpu.enqueue_dma source(%dma_start3A_259 : memref<1024xi32, #tpu.memory_space<hbm>>) target(%arg11 : memref<1024xi32, #tpu.memory_space<vmem>>) target_semaphore(%arg36 : memref<!tpu.dma_semaphore, #tpu.memory_space<semaphore_mem>>)
      %dma_start3A_260 = tpu.memref_slice %arg4[%add3A_257] : memref<3200000xi32, #tpu.memory_space<hbm>> -> memref<1024xi32, #tpu.memory_space<hbm>>
      %dma_start3A_261 = tpu.memref_slice %arg4[%add3A_257] : memref<3200000xi32, #tpu.memory_space<hbm>> -> memref<1024xi32, #tpu.memory_space<hbm>>
      tpu.enqueue_dma source(%dma_start3A_261 : memref<1024xi32, #tpu.memory_space<hbm>>) target(%arg16 : memref<1024xi32, #tpu.memory_space<vmem>>) target_semaphore(%arg36 : memref<!tpu.dma_semaphore, #tpu.memory_space<semaphore_mem>>)
      %dma_start3A_262 = tpu.memref_slice %arg5[%add3A_257] : memref<3200000xf32, #tpu.memory_space<hbm>> -> memref<1024xf32, #tpu.memory_space<hbm>>
      %dma_start3A_263 = tpu.memref_slice %arg5[%add3A_257] : memref<3200000xf32, #tpu.memory_space<hbm>> -> memref<1024xf32, #tpu.memory_space<hbm>>
      tpu.enqueue_dma source(%dma_start3A_263 : memref<1024xf32, #tpu.memory_space<hbm>>) target(%arg21 : memref<1024xf32, #tpu.memory_space<vmem>>) target_semaphore(%arg36 : memref<!tpu.dma_semaphore, #tpu.memory_space<semaphore_mem>>)
      %mul3A_264 = arith.constant 1024 : i32
      %mul3A_265 = arith.muli %add3A_250, %mul3A_264 : i32
      %add3A_266 = arith.addi %mul3A_2, %mul3A_265 : i32
      %dma_wait3A_267 = tpu.memref_slice %arg3[%add3A_266] : memref<3200000xi32, #tpu.memory_space<hbm>> -> memref<1024xi32, #tpu.memory_space<hbm>>
      %dma_wait3A_268 = tpu.memref_slice %arg3[%add3A_266] : memref<3200000xi32, #tpu.memory_space<hbm>> -> memref<1024xi32, #tpu.memory_space<hbm>>
      tpu.wait_dma2 semaphore(%arg34 : memref<!tpu.dma_semaphore, #tpu.memory_space<semaphore_mem>>) src(%dma_wait3A_268 : memref<1024xi32, #tpu.memory_space<hbm>>) dst(%arg9 : memref<1024xi32, #tpu.memory_space<vmem>>)
      %dma_wait3A_269 = tpu.memref_slice %arg4[%add3A_266] : memref<3200000xi32, #tpu.memory_space<hbm>> -> memref<1024xi32, #tpu.memory_space<hbm>>
      %dma_wait3A_270 = tpu.memref_slice %arg4[%add3A_266] : memref<3200000xi32, #tpu.memory_space<hbm>> -> memref<1024xi32, #tpu.memory_space<hbm>>
      tpu.wait_dma2 semaphore(%arg34 : memref<!tpu.dma_semaphore, #tpu.memory_space<semaphore_mem>>) src(%dma_wait3A_270 : memref<1024xi32, #tpu.memory_space<hbm>>) dst(%arg14 : memref<1024xi32, #tpu.memory_space<vmem>>)
      %dma_wait3A_271 = tpu.memref_slice %arg5[%add3A_266] : memref<3200000xf32, #tpu.memory_space<hbm>> -> memref<1024xf32, #tpu.memory_space<hbm>>
      %dma_wait3A_272 = tpu.memref_slice %arg5[%add3A_266] : memref<3200000xf32, #tpu.memory_space<hbm>> -> memref<1024xf32, #tpu.memory_space<hbm>>
      tpu.wait_dma2 semaphore(%arg34 : memref<!tpu.dma_semaphore, #tpu.memory_space<semaphore_mem>>) src(%dma_wait3A_272 : memref<1024xf32, #tpu.memory_space<hbm>>) dst(%arg19 : memref<1024xf32, #tpu.memory_space<vmem>>)
      %parallel_loop3A_273 = arith.constant 0 : i32
      %parallel_loop3A_274 = arith.constant 1024 : i32
      %parallel_loop3A_275 = arith.constant 16 : i32
      scf.for %parallel_loop3A_391 = %parallel_loop3A_273 to %parallel_loop3A_274 step %parallel_loop3A_275  : i32 {
        %parallel_loop3A_392 = arith.index_cast %parallel_loop3A_391 : i32 to index
        %parallel_loop3A_393 = tpu.vector_load %arg9[%parallel_loop3A_392] {strides = array<i32>} : memref<1024xi32, #tpu.memory_space<vmem>>, vector<16xi32>,
        %parallel_loop3A_394 = arith.index_cast %parallel_loop3A_391 : i32 to index
        %parallel_loop3A_395 = tpu.vector_load %arg14[%parallel_loop3A_394] {strides = array<i32>} : memref<1024xi32, #tpu.memory_space<vmem>>, vector<16xi32>,
        %parallel_loop3A_396 = arith.index_cast %parallel_loop3A_391 : i32 to index
        %parallel_loop3A_397 = tpu.vector_load %arg19[%parallel_loop3A_396] {strides = array<i32>} : memref<1024xf32, #tpu.memory_space<vmem>>, vector<16xf32>,
        %parallel_loop3A_398 = tpu.vector_load_idx %arg8[%parallel_loop3A_393] : memref<100000xf32, #tpu.memory_space<vmem>>[vector<16xi32>], vector<16xf32>,
        %parallel_loop3A_399 = tpu.vector_load_idx %arg8[%parallel_loop3A_395] : memref<100000xf32, #tpu.memory_space<vmem>>[vector<16xi32>], vector<16xf32>,
        %parallel_loop3A_400 = arith.mulf %parallel_loop3A_398, %parallel_loop3A_397 : vector<16xf32>
        %parallel_loop3A_401 = arith.constant 0.000000e+00 : f32
        %parallel_loop3A_402 = vector.broadcast %parallel_loop3A_401 : f32 to vector<16xf32>
        %parallel_loop3A_403 = arith.cmpf ogt, %parallel_loop3A_400, %parallel_loop3A_402 : vector<16xf32>
        %parallel_loop3A_404 = arith.subf %parallel_loop3A_399, %parallel_loop3A_398 : vector<16xf32>
        %parallel_loop3A_405 = arith.divf %parallel_loop3A_404, %parallel_loop3A_397 : vector<16xf32>
        %parallel_loop3A_406 = arith.constant 0.000000e+00 : f32
        %parallel_loop3A_407 = vector.broadcast %parallel_loop3A_406 : f32 to vector<16xf32>
        %parallel_loop3A_408 = arith.select %parallel_loop3A_403, %parallel_loop3A_405, %parallel_loop3A_407 : vector<16xi1>, vector<16xf32>
        %parallel_loop3A_409 = arith.index_cast %parallel_loop3A_391 : i32 to index
        %parallel_loop3A_410 = tpu.vector_load %arg24[%parallel_loop3A_409] {strides = array<i32>} : memref<1024xf32, #tpu.memory_space<vmem>>, vector<16xf32>,
        tpu.vector_store %arg24[%parallel_loop3A_409], %parallel_loop3A_408 {strides = array<i32>} : memref<1024xf32, #tpu.memory_space<vmem>>, vector<16xf32>,
      } {sc.loop_unroll_factor = 4 : i64, sc.parallel_access}
      %dma_start3A_276 = arith.constant 0 : i32
      %dma_start3A_277 = tpu.memref_slice %arg33[%dma_start3A_276] : memref<100352xf32, #tpu.memory_space<vmem_shared>> -> memref<100352xf32, #tpu.memory_space<vmem_shared>>
      tpu.enqueue_indirect_dma source(%arg24 : memref<1024xf32, #tpu.memory_space<vmem>>) target(%dma_start3A_277 : memref<100352xf32, #tpu.memory_space<vmem_shared>>) offsets(%arg14 : memref<1024xi32, #tpu.memory_space<vmem>>) semaphore(%arg39 : memref<!tpu.dma_semaphore, #tpu.memory_space<semaphore_mem>>) {add = true}
      %add3A_278 = arith.constant 1 : i32
      %add3A_279 = arith.addi %add3A_248, %add3A_278 : i32
      %gt3A_280 = arith.constant 0 : i32
      %gt3A_281 = arith.cmpi sgt, %add3A_248, %gt3A_280 : i32
      %convert_element_type3A_282 = arith.extui %gt3A_281 : i1 to i32
      %cond3A_283 = arith.constant 0 : i32
      %cond3A_284 = arith.cmpi ne, %convert_element_type3A_282, %cond3A_283 : i32
      scf.if %cond3A_284 {
        %dma_wait3A_391 = arith.constant 0 : i32
        %dma_wait3A_392 = tpu.memref_slice %arg33[%dma_wait3A_391] : memref<100352xf32, #tpu.memory_space<vmem_shared>> -> memref<100352xf32, #tpu.memory_space<vmem_shared>>
        tpu.wait_indirect_dma semaphore(%arg42 : memref<!tpu.dma_semaphore, #tpu.memory_space<semaphore_mem>>) src(%arg27 : memref<1024xf32, #tpu.memory_space<vmem>>) dst(%dma_wait3A_392 : memref<100352xf32, #tpu.memory_space<vmem_shared>>)
      } else {
      }
      %add3A_285 = arith.constant 2 : i32
      %add3A_286 = arith.addi %add3A_279, %add3A_285 : i32
      %mul3A_287 = arith.constant 1024 : i32
      %mul3A_288 = arith.muli %add3A_286, %mul3A_287 : i32
      %add3A_289 = arith.addi %mul3A_2, %mul3A_288 : i32
      %dma_start3A_290 = tpu.memref_slice %arg3[%add3A_289] : memref<3200000xi32, #tpu.memory_space<hbm>> -> memref<1024xi32, #tpu.memory_space<hbm>>
      %dma_start3A_291 = tpu.memref_slice %arg3[%add3A_289] : memref<3200000xi32, #tpu.memory_space<hbm>> -> memref<1024xi32, #tpu.memory_space<hbm>>
      tpu.enqueue_dma source(%dma_start3A_291 : memref<1024xi32, #tpu.memory_space<hbm>>) target(%arg12 : memref<1024xi32, #tpu.memory_space<vmem>>) target_semaphore(%arg37 : memref<!tpu.dma_semaphore, #tpu.memory_space<semaphore_mem>>)
      %dma_start3A_292 = tpu.memref_slice %arg4[%add3A_289] : memref<3200000xi32, #tpu.memory_space<hbm>> -> memref<1024xi32, #tpu.memory_space<hbm>>
      %dma_start3A_293 = tpu.memref_slice %arg4[%add3A_289] : memref<3200000xi32, #tpu.memory_space<hbm>> -> memref<1024xi32, #tpu.memory_space<hbm>>
      tpu.enqueue_dma source(%dma_start3A_293 : memref<1024xi32, #tpu.memory_space<hbm>>) target(%arg17 : memref<1024xi32, #tpu.memory_space<vmem>>) target_semaphore(%arg37 : memref<!tpu.dma_semaphore, #tpu.memory_space<semaphore_mem>>)
      %dma_start3A_294 = tpu.memref_slice %arg5[%add3A_289] : memref<3200000xf32, #tpu.memory_space<hbm>> -> memref<1024xf32, #tpu.memory_space<hbm>>
      %dma_start3A_295 = tpu.memref_slice %arg5[%add3A_289] : memref<3200000xf32, #tpu.memory_space<hbm>> -> memref<1024xf32, #tpu.memory_space<hbm>>
      tpu.enqueue_dma source(%dma_start3A_295 : memref<1024xf32, #tpu.memory_space<hbm>>) target(%arg22 : memref<1024xf32, #tpu.memory_space<vmem>>) target_semaphore(%arg37 : memref<!tpu.dma_semaphore, #tpu.memory_space<semaphore_mem>>)
      %mul3A_296 = arith.constant 1024 : i32
      %mul3A_297 = arith.muli %add3A_279, %mul3A_296 : i32
      %add3A_298 = arith.addi %mul3A_2, %mul3A_297 : i32
      %dma_wait3A_299 = tpu.memref_slice %arg3[%add3A_298] : memref<3200000xi32, #tpu.memory_space<hbm>> -> memref<1024xi32, #tpu.memory_space<hbm>>
      %dma_wait3A_300 = tpu.memref_slice %arg3[%add3A_298] : memref<3200000xi32, #tpu.memory_space<hbm>> -> memref<1024xi32, #tpu.memory_space<hbm>>
      tpu.wait_dma2 semaphore(%arg35 : memref<!tpu.dma_semaphore, #tpu.memory_space<semaphore_mem>>) src(%dma_wait3A_300 : memref<1024xi32, #tpu.memory_space<hbm>>) dst(%arg10 : memref<1024xi32, #tpu.memory_space<vmem>>)
      %dma_wait3A_301 = tpu.memref_slice %arg4[%add3A_298] : memref<3200000xi32, #tpu.memory_space<hbm>> -> memref<1024xi32, #tpu.memory_space<hbm>>
      %dma_wait3A_302 = tpu.memref_slice %arg4[%add3A_298] : memref<3200000xi32, #tpu.memory_space<hbm>> -> memref<1024xi32, #tpu.memory_space<hbm>>
      tpu.wait_dma2 semaphore(%arg35 : memref<!tpu.dma_semaphore, #tpu.memory_space<semaphore_mem>>) src(%dma_wait3A_302 : memref<1024xi32, #tpu.memory_space<hbm>>) dst(%arg15 : memref<1024xi32, #tpu.memory_space<vmem>>)
      %dma_wait3A_303 = tpu.memref_slice %arg5[%add3A_298] : memref<3200000xf32, #tpu.memory_space<hbm>> -> memref<1024xf32, #tpu.memory_space<hbm>>
      %dma_wait3A_304 = tpu.memref_slice %arg5[%add3A_298] : memref<3200000xf32, #tpu.memory_space<hbm>> -> memref<1024xf32, #tpu.memory_space<hbm>>
      tpu.wait_dma2 semaphore(%arg35 : memref<!tpu.dma_semaphore, #tpu.memory_space<semaphore_mem>>) src(%dma_wait3A_304 : memref<1024xf32, #tpu.memory_space<hbm>>) dst(%arg20 : memref<1024xf32, #tpu.memory_space<vmem>>)
      %parallel_loop3A_305 = arith.constant 0 : i32
      %parallel_loop3A_306 = arith.constant 1024 : i32
      %parallel_loop3A_307 = arith.constant 16 : i32
      scf.for %parallel_loop3A_391 = %parallel_loop3A_305 to %parallel_loop3A_306 step %parallel_loop3A_307  : i32 {
        %parallel_loop3A_392 = arith.index_cast %parallel_loop3A_391 : i32 to index
        %parallel_loop3A_393 = tpu.vector_load %arg10[%parallel_loop3A_392] {strides = array<i32>} : memref<1024xi32, #tpu.memory_space<vmem>>, vector<16xi32>,
        %parallel_loop3A_394 = arith.index_cast %parallel_loop3A_391 : i32 to index
        %parallel_loop3A_395 = tpu.vector_load %arg15[%parallel_loop3A_394] {strides = array<i32>} : memref<1024xi32, #tpu.memory_space<vmem>>, vector<16xi32>,
        %parallel_loop3A_396 = arith.index_cast %parallel_loop3A_391 : i32 to index
        %parallel_loop3A_397 = tpu.vector_load %arg20[%parallel_loop3A_396] {strides = array<i32>} : memref<1024xf32, #tpu.memory_space<vmem>>, vector<16xf32>,
        %parallel_loop3A_398 = tpu.vector_load_idx %arg8[%parallel_loop3A_393] : memref<100000xf32, #tpu.memory_space<vmem>>[vector<16xi32>], vector<16xf32>,
        %parallel_loop3A_399 = tpu.vector_load_idx %arg8[%parallel_loop3A_395] : memref<100000xf32, #tpu.memory_space<vmem>>[vector<16xi32>], vector<16xf32>,
        %parallel_loop3A_400 = arith.mulf %parallel_loop3A_398, %parallel_loop3A_397 : vector<16xf32>
        %parallel_loop3A_401 = arith.constant 0.000000e+00 : f32
        %parallel_loop3A_402 = vector.broadcast %parallel_loop3A_401 : f32 to vector<16xf32>
        %parallel_loop3A_403 = arith.cmpf ogt, %parallel_loop3A_400, %parallel_loop3A_402 : vector<16xf32>
        %parallel_loop3A_404 = arith.subf %parallel_loop3A_399, %parallel_loop3A_398 : vector<16xf32>
        %parallel_loop3A_405 = arith.divf %parallel_loop3A_404, %parallel_loop3A_397 : vector<16xf32>
        %parallel_loop3A_406 = arith.constant 0.000000e+00 : f32
        %parallel_loop3A_407 = vector.broadcast %parallel_loop3A_406 : f32 to vector<16xf32>
        %parallel_loop3A_408 = arith.select %parallel_loop3A_403, %parallel_loop3A_405, %parallel_loop3A_407 : vector<16xi1>, vector<16xf32>
        %parallel_loop3A_409 = arith.index_cast %parallel_loop3A_391 : i32 to index
        %parallel_loop3A_410 = tpu.vector_load %arg25[%parallel_loop3A_409] {strides = array<i32>} : memref<1024xf32, #tpu.memory_space<vmem>>, vector<16xf32>,
        tpu.vector_store %arg25[%parallel_loop3A_409], %parallel_loop3A_408 {strides = array<i32>} : memref<1024xf32, #tpu.memory_space<vmem>>, vector<16xf32>,
      } {sc.loop_unroll_factor = 4 : i64, sc.parallel_access}
      %dma_start3A_308 = arith.constant 0 : i32
      %dma_start3A_309 = tpu.memref_slice %arg33[%dma_start3A_308] : memref<100352xf32, #tpu.memory_space<vmem_shared>> -> memref<100352xf32, #tpu.memory_space<vmem_shared>>
      tpu.enqueue_indirect_dma source(%arg25 : memref<1024xf32, #tpu.memory_space<vmem>>) target(%dma_start3A_309 : memref<100352xf32, #tpu.memory_space<vmem_shared>>) offsets(%arg15 : memref<1024xi32, #tpu.memory_space<vmem>>) semaphore(%arg40 : memref<!tpu.dma_semaphore, #tpu.memory_space<semaphore_mem>>) {add = true}
      %add3A_310 = arith.constant 2 : i32
      %add3A_311 = arith.addi %add3A_248, %add3A_310 : i32
      %gt3A_312 = arith.constant 0 : i32
      %gt3A_313 = arith.cmpi sgt, %add3A_248, %gt3A_312 : i32
      %convert_element_type3A_314 = arith.extui %gt3A_313 : i1 to i32
      %cond3A_315 = arith.constant 0 : i32
      %cond3A_316 = arith.cmpi ne, %convert_element_type3A_314, %cond3A_315 : i32
      scf.if %cond3A_316 {
        %dma_wait3A_391 = arith.constant 0 : i32
        %dma_wait3A_392 = tpu.memref_slice %arg33[%dma_wait3A_391] : memref<100352xf32, #tpu.memory_space<vmem_shared>> -> memref<100352xf32, #tpu.memory_space<vmem_shared>>
        tpu.wait_indirect_dma semaphore(%arg43 : memref<!tpu.dma_semaphore, #tpu.memory_space<semaphore_mem>>) src(%arg28 : memref<1024xf32, #tpu.memory_space<vmem>>) dst(%dma_wait3A_392 : memref<100352xf32, #tpu.memory_space<vmem_shared>>)
      } else {
      }
      %add3A_317 = arith.constant 2 : i32
      %add3A_318 = arith.addi %add3A_311, %add3A_317 : i32
      %mul3A_319 = arith.constant 1024 : i32
      %mul3A_320 = arith.muli %add3A_318, %mul3A_319 : i32
      %add3A_321 = arith.addi %mul3A_2, %mul3A_320 : i32
      %dma_start3A_322 = tpu.memref_slice %arg3[%add3A_321] : memref<3200000xi32, #tpu.memory_space<hbm>> -> memref<1024xi32, #tpu.memory_space<hbm>>
      %dma_start3A_323 = tpu.memref_slice %arg3[%add3A_321] : memref<3200000xi32, #tpu.memory_space<hbm>> -> memref<1024xi32, #tpu.memory_space<hbm>>
      tpu.enqueue_dma source(%dma_start3A_323 : memref<1024xi32, #tpu.memory_space<hbm>>) target(%arg13 : memref<1024xi32, #tpu.memory_space<vmem>>) target_semaphore(%arg38 : memref<!tpu.dma_semaphore, #tpu.memory_space<semaphore_mem>>)
      %dma_start3A_324 = tpu.memref_slice %arg4[%add3A_321] : memref<3200000xi32, #tpu.memory_space<hbm>> -> memref<1024xi32, #tpu.memory_space<hbm>>
      %dma_start3A_325 = tpu.memref_slice %arg4[%add3A_321] : memref<3200000xi32, #tpu.memory_space<hbm>> -> memref<1024xi32, #tpu.memory_space<hbm>>
      tpu.enqueue_dma source(%dma_start3A_325 : memref<1024xi32, #tpu.memory_space<hbm>>) target(%arg18 : memref<1024xi32, #tpu.memory_space<vmem>>) target_semaphore(%arg38 : memref<!tpu.dma_semaphore, #tpu.memory_space<semaphore_mem>>)
      %dma_start3A_326 = tpu.memref_slice %arg5[%add3A_321] : memref<3200000xf32, #tpu.memory_space<hbm>> -> memref<1024xf32, #tpu.memory_space<hbm>>
      %dma_start3A_327 = tpu.memref_slice %arg5[%add3A_321] : memref<3200000xf32, #tpu.memory_space<hbm>> -> memref<1024xf32, #tpu.memory_space<hbm>>
      tpu.enqueue_dma source(%dma_start3A_327 : memref<1024xf32, #tpu.memory_space<hbm>>) target(%arg23 : memref<1024xf32, #tpu.memory_space<vmem>>) target_semaphore(%arg38 : memref<!tpu.dma_semaphore, #tpu.memory_space<semaphore_mem>>)
      %mul3A_328 = arith.constant 1024 : i32
      %mul3A_329 = arith.muli %add3A_311, %mul3A_328 : i32
      %add3A_330 = arith.addi %mul3A_2, %mul3A_329 : i32
      %dma_wait3A_331 = tpu.memref_slice %arg3[%add3A_330] : memref<3200000xi32, #tpu.memory_space<hbm>> -> memref<1024xi32, #tpu.memory_space<hbm>>
      %dma_wait3A_332 = tpu.memref_slice %arg3[%add3A_330] : memref<3200000xi32, #tpu.memory_space<hbm>> -> memref<1024xi32, #tpu.memory_space<hbm>>
      tpu.wait_dma2 semaphore(%arg36 : memref<!tpu.dma_semaphore, #tpu.memory_space<semaphore_mem>>) src(%dma_wait3A_332 : memref<1024xi32, #tpu.memory_space<hbm>>) dst(%arg11 : memref<1024xi32, #tpu.memory_space<vmem>>)
      %dma_wait3A_333 = tpu.memref_slice %arg4[%add3A_330] : memref<3200000xi32, #tpu.memory_space<hbm>> -> memref<1024xi32, #tpu.memory_space<hbm>>
      %dma_wait3A_334 = tpu.memref_slice %arg4[%add3A_330] : memref<3200000xi32, #tpu.memory_space<hbm>> -> memref<1024xi32, #tpu.memory_space<hbm>>
      tpu.wait_dma2 semaphore(%arg36 : memref<!tpu.dma_semaphore, #tpu.memory_space<semaphore_mem>>) src(%dma_wait3A_334 : memref<1024xi32, #tpu.memory_space<hbm>>) dst(%arg16 : memref<1024xi32, #tpu.memory_space<vmem>>)
      %dma_wait3A_335 = tpu.memref_slice %arg5[%add3A_330] : memref<3200000xf32, #tpu.memory_space<hbm>> -> memref<1024xf32, #tpu.memory_space<hbm>>
      %dma_wait3A_336 = tpu.memref_slice %arg5[%add3A_330] : memref<3200000xf32, #tpu.memory_space<hbm>> -> memref<1024xf32, #tpu.memory_space<hbm>>
      tpu.wait_dma2 semaphore(%arg36 : memref<!tpu.dma_semaphore, #tpu.memory_space<semaphore_mem>>) src(%dma_wait3A_336 : memref<1024xf32, #tpu.memory_space<hbm>>) dst(%arg21 : memref<1024xf32, #tpu.memory_space<vmem>>)
      %parallel_loop3A_337 = arith.constant 0 : i32
      %parallel_loop3A_338 = arith.constant 1024 : i32
      %parallel_loop3A_339 = arith.constant 16 : i32
      scf.for %parallel_loop3A_391 = %parallel_loop3A_337 to %parallel_loop3A_338 step %parallel_loop3A_339  : i32 {
        %parallel_loop3A_392 = arith.index_cast %parallel_loop3A_391 : i32 to index
        %parallel_loop3A_393 = tpu.vector_load %arg11[%parallel_loop3A_392] {strides = array<i32>} : memref<1024xi32, #tpu.memory_space<vmem>>, vector<16xi32>,
        %parallel_loop3A_394 = arith.index_cast %parallel_loop3A_391 : i32 to index
        %parallel_loop3A_395 = tpu.vector_load %arg16[%parallel_loop3A_394] {strides = array<i32>} : memref<1024xi32, #tpu.memory_space<vmem>>, vector<16xi32>,
        %parallel_loop3A_396 = arith.index_cast %parallel_loop3A_391 : i32 to index
        %parallel_loop3A_397 = tpu.vector_load %arg21[%parallel_loop3A_396] {strides = array<i32>} : memref<1024xf32, #tpu.memory_space<vmem>>, vector<16xf32>,
        %parallel_loop3A_398 = tpu.vector_load_idx %arg8[%parallel_loop3A_393] : memref<100000xf32, #tpu.memory_space<vmem>>[vector<16xi32>], vector<16xf32>,
        %parallel_loop3A_399 = tpu.vector_load_idx %arg8[%parallel_loop3A_395] : memref<100000xf32, #tpu.memory_space<vmem>>[vector<16xi32>], vector<16xf32>,
        %parallel_loop3A_400 = arith.mulf %parallel_loop3A_398, %parallel_loop3A_397 : vector<16xf32>
        %parallel_loop3A_401 = arith.constant 0.000000e+00 : f32
        %parallel_loop3A_402 = vector.broadcast %parallel_loop3A_401 : f32 to vector<16xf32>
        %parallel_loop3A_403 = arith.cmpf ogt, %parallel_loop3A_400, %parallel_loop3A_402 : vector<16xf32>
        %parallel_loop3A_404 = arith.subf %parallel_loop3A_399, %parallel_loop3A_398 : vector<16xf32>
        %parallel_loop3A_405 = arith.divf %parallel_loop3A_404, %parallel_loop3A_397 : vector<16xf32>
        %parallel_loop3A_406 = arith.constant 0.000000e+00 : f32
        %parallel_loop3A_407 = vector.broadcast %parallel_loop3A_406 : f32 to vector<16xf32>
        %parallel_loop3A_408 = arith.select %parallel_loop3A_403, %parallel_loop3A_405, %parallel_loop3A_407 : vector<16xi1>, vector<16xf32>
        %parallel_loop3A_409 = arith.index_cast %parallel_loop3A_391 : i32 to index
        %parallel_loop3A_410 = tpu.vector_load %arg26[%parallel_loop3A_409] {strides = array<i32>} : memref<1024xf32, #tpu.memory_space<vmem>>, vector<16xf32>,
        tpu.vector_store %arg26[%parallel_loop3A_409], %parallel_loop3A_408 {strides = array<i32>} : memref<1024xf32, #tpu.memory_space<vmem>>, vector<16xf32>,
      } {sc.loop_unroll_factor = 4 : i64, sc.parallel_access}
      %dma_start3A_340 = arith.constant 0 : i32
      %dma_start3A_341 = tpu.memref_slice %arg33[%dma_start3A_340] : memref<100352xf32, #tpu.memory_space<vmem_shared>> -> memref<100352xf32, #tpu.memory_space<vmem_shared>>
      tpu.enqueue_indirect_dma source(%arg26 : memref<1024xf32, #tpu.memory_space<vmem>>) target(%dma_start3A_341 : memref<100352xf32, #tpu.memory_space<vmem_shared>>) offsets(%arg16 : memref<1024xi32, #tpu.memory_space<vmem>>) semaphore(%arg41 : memref<!tpu.dma_semaphore, #tpu.memory_space<semaphore_mem>>) {add = true}
      %add3A_342 = arith.constant 3 : i32
      %add3A_343 = arith.addi %add3A_248, %add3A_342 : i32
      %dma_wait3A_344 = arith.constant 0 : i32
      %dma_wait3A_345 = tpu.memref_slice %arg33[%dma_wait3A_344] : memref<100352xf32, #tpu.memory_space<vmem_shared>> -> memref<100352xf32, #tpu.memory_space<vmem_shared>>
      tpu.wait_indirect_dma semaphore(%arg39 : memref<!tpu.dma_semaphore, #tpu.memory_space<semaphore_mem>>) src(%arg24 : memref<1024xf32, #tpu.memory_space<vmem>>) dst(%dma_wait3A_345 : memref<100352xf32, #tpu.memory_space<vmem_shared>>)
      %add3A_346 = arith.constant 2 : i32
      %add3A_347 = arith.addi %add3A_343, %add3A_346 : i32
      %lt3A = arith.constant 97 : i32
      %lt3A_348 = arith.cmpi slt, %add3A_347, %lt3A : i32
      %convert_element_type3A_349 = arith.extui %lt3A_348 : i1 to i32
      %cond3A_350 = arith.constant 0 : i32
      %cond3A_351 = arith.cmpi ne, %convert_element_type3A_349, %cond3A_350 : i32
      scf.if %cond3A_351 {
        %add3A_391 = arith.constant 2 : i32
        %add3A_392 = arith.addi %add3A_343, %add3A_391 : i32
        %mul3A_393 = arith.constant 1024 : i32
        %mul3A_394 = arith.muli %add3A_392, %mul3A_393 : i32
        %add3A_395 = arith.addi %mul3A_2, %mul3A_394 : i32
        %dma_start3A_396 = tpu.memref_slice %arg3[%add3A_395] : memref<3200000xi32, #tpu.memory_space<hbm>> -> memref<1024xi32, #tpu.memory_space<hbm>>
        %dma_start3A_397 = tpu.memref_slice %arg3[%add3A_395] : memref<3200000xi32, #tpu.memory_space<hbm>> -> memref<1024xi32, #tpu.memory_space<hbm>>
        tpu.enqueue_dma source(%dma_start3A_397 : memref<1024xi32, #tpu.memory_space<hbm>>) target(%arg9 : memref<1024xi32, #tpu.memory_space<vmem>>) target_semaphore(%arg34 : memref<!tpu.dma_semaphore, #tpu.memory_space<semaphore_mem>>)
        %dma_start3A_398 = tpu.memref_slice %arg4[%add3A_395] : memref<3200000xi32, #tpu.memory_space<hbm>> -> memref<1024xi32, #tpu.memory_space<hbm>>
        %dma_start3A_399 = tpu.memref_slice %arg4[%add3A_395] : memref<3200000xi32, #tpu.memory_space<hbm>> -> memref<1024xi32, #tpu.memory_space<hbm>>
        tpu.enqueue_dma source(%dma_start3A_399 : memref<1024xi32, #tpu.memory_space<hbm>>) target(%arg14 : memref<1024xi32, #tpu.memory_space<vmem>>) target_semaphore(%arg34 : memref<!tpu.dma_semaphore, #tpu.memory_space<semaphore_mem>>)
        %dma_start3A_400 = tpu.memref_slice %arg5[%add3A_395] : memref<3200000xf32, #tpu.memory_space<hbm>> -> memref<1024xf32, #tpu.memory_space<hbm>>
        %dma_start3A_401 = tpu.memref_slice %arg5[%add3A_395] : memref<3200000xf32, #tpu.memory_space<hbm>> -> memref<1024xf32, #tpu.memory_space<hbm>>
        tpu.enqueue_dma source(%dma_start3A_401 : memref<1024xf32, #tpu.memory_space<hbm>>) target(%arg19 : memref<1024xf32, #tpu.memory_space<vmem>>) target_semaphore(%arg34 : memref<!tpu.dma_semaphore, #tpu.memory_space<semaphore_mem>>)
      } else {
      }
      %mul3A_352 = arith.constant 1024 : i32
      %mul3A_353 = arith.muli %add3A_343, %mul3A_352 : i32
      %add3A_354 = arith.addi %mul3A_2, %mul3A_353 : i32
      %dma_wait3A_355 = tpu.memref_slice %arg3[%add3A_354] : memref<3200000xi32, #tpu.memory_space<hbm>> -> memref<1024xi32, #tpu.memory_space<hbm>>
      %dma_wait3A_356 = tpu.memref_slice %arg3[%add3A_354] : memref<3200000xi32, #tpu.memory_space<hbm>> -> memref<1024xi32, #tpu.memory_space<hbm>>
      tpu.wait_dma2 semaphore(%arg37 : memref<!tpu.dma_semaphore, #tpu.memory_space<semaphore_mem>>) src(%dma_wait3A_356 : memref<1024xi32, #tpu.memory_space<hbm>>) dst(%arg12 : memref<1024xi32, #tpu.memory_space<vmem>>)
      %dma_wait3A_357 = tpu.memref_slice %arg4[%add3A_354] : memref<3200000xi32, #tpu.memory_space<hbm>> -> memref<1024xi32, #tpu.memory_space<hbm>>
      %dma_wait3A_358 = tpu.memref_slice %arg4[%add3A_354] : memref<3200000xi32, #tpu.memory_space<hbm>> -> memref<1024xi32, #tpu.memory_space<hbm>>
      tpu.wait_dma2 semaphore(%arg37 : memref<!tpu.dma_semaphore, #tpu.memory_space<semaphore_mem>>) src(%dma_wait3A_358 : memref<1024xi32, #tpu.memory_space<hbm>>) dst(%arg17 : memref<1024xi32, #tpu.memory_space<vmem>>)
      %dma_wait3A_359 = tpu.memref_slice %arg5[%add3A_354] : memref<3200000xf32, #tpu.memory_space<hbm>> -> memref<1024xf32, #tpu.memory_space<hbm>>
      %dma_wait3A_360 = tpu.memref_slice %arg5[%add3A_354] : memref<3200000xf32, #tpu.memory_space<hbm>> -> memref<1024xf32, #tpu.memory_space<hbm>>
      tpu.wait_dma2 semaphore(%arg37 : memref<!tpu.dma_semaphore, #tpu.memory_space<semaphore_mem>>) src(%dma_wait3A_360 : memref<1024xf32, #tpu.memory_space<hbm>>) dst(%arg22 : memref<1024xf32, #tpu.memory_space<vmem>>)
      %parallel_loop3A_361 = arith.constant 0 : i32
      %parallel_loop3A_362 = arith.constant 1024 : i32
      %parallel_loop3A_363 = arith.constant 16 : i32
      scf.for %parallel_loop3A_391 = %parallel_loop3A_361 to %parallel_loop3A_362 step %parallel_loop3A_363  : i32 {
        %parallel_loop3A_392 = arith.index_cast %parallel_loop3A_391 : i32 to index
        %parallel_loop3A_393 = tpu.vector_load %arg12[%parallel_loop3A_392] {strides = array<i32>} : memref<1024xi32, #tpu.memory_space<vmem>>, vector<16xi32>,
        %parallel_loop3A_394 = arith.index_cast %parallel_loop3A_391 : i32 to index
        %parallel_loop3A_395 = tpu.vector_load %arg17[%parallel_loop3A_394] {strides = array<i32>} : memref<1024xi32, #tpu.memory_space<vmem>>, vector<16xi32>,
        %parallel_loop3A_396 = arith.index_cast %parallel_loop3A_391 : i32 to index
        %parallel_loop3A_397 = tpu.vector_load %arg22[%parallel_loop3A_396] {strides = array<i32>} : memref<1024xf32, #tpu.memory_space<vmem>>, vector<16xf32>,
        %parallel_loop3A_398 = tpu.vector_load_idx %arg8[%parallel_loop3A_393] : memref<100000xf32, #tpu.memory_space<vmem>>[vector<16xi32>], vector<16xf32>,
        %parallel_loop3A_399 = tpu.vector_load_idx %arg8[%parallel_loop3A_395] : memref<100000xf32, #tpu.memory_space<vmem>>[vector<16xi32>], vector<16xf32>,
        %parallel_loop3A_400 = arith.mulf %parallel_loop3A_398, %parallel_loop3A_397 : vector<16xf32>
        %parallel_loop3A_401 = arith.constant 0.000000e+00 : f32
        %parallel_loop3A_402 = vector.broadcast %parallel_loop3A_401 : f32 to vector<16xf32>
        %parallel_loop3A_403 = arith.cmpf ogt, %parallel_loop3A_400, %parallel_loop3A_402 : vector<16xf32>
        %parallel_loop3A_404 = arith.subf %parallel_loop3A_399, %parallel_loop3A_398 : vector<16xf32>
        %parallel_loop3A_405 = arith.divf %parallel_loop3A_404, %parallel_loop3A_397 : vector<16xf32>
        %parallel_loop3A_406 = arith.constant 0.000000e+00 : f32
        %parallel_loop3A_407 = vector.broadcast %parallel_loop3A_406 : f32 to vector<16xf32>
        %parallel_loop3A_408 = arith.select %parallel_loop3A_403, %parallel_loop3A_405, %parallel_loop3A_407 : vector<16xi1>, vector<16xf32>
        %parallel_loop3A_409 = arith.index_cast %parallel_loop3A_391 : i32 to index
        %parallel_loop3A_410 = tpu.vector_load %arg27[%parallel_loop3A_409] {strides = array<i32>} : memref<1024xf32, #tpu.memory_space<vmem>>, vector<16xf32>,
        tpu.vector_store %arg27[%parallel_loop3A_409], %parallel_loop3A_408 {strides = array<i32>} : memref<1024xf32, #tpu.memory_space<vmem>>, vector<16xf32>,
      } {sc.loop_unroll_factor = 4 : i64, sc.parallel_access}
      %dma_start3A_364 = arith.constant 0 : i32
      %dma_start3A_365 = tpu.memref_slice %arg33[%dma_start3A_364] : memref<100352xf32, #tpu.memory_space<vmem_shared>> -> memref<100352xf32, #tpu.memory_space<vmem_shared>>
      tpu.enqueue_indirect_dma source(%arg27 : memref<1024xf32, #tpu.memory_space<vmem>>) target(%dma_start3A_365 : memref<100352xf32, #tpu.memory_space<vmem_shared>>) offsets(%arg17 : memref<1024xi32, #tpu.memory_space<vmem>>) semaphore(%arg42 : memref<!tpu.dma_semaphore, #tpu.memory_space<semaphore_mem>>) {add = true}
      %add3A_366 = arith.constant 4 : i32
      %add3A_367 = arith.addi %add3A_248, %add3A_366 : i32
      %dma_wait3A_368 = arith.constant 0 : i32
      %dma_wait3A_369 = tpu.memref_slice %arg33[%dma_wait3A_368] : memref<100352xf32, #tpu.memory_space<vmem_shared>> -> memref<100352xf32, #tpu.memory_space<vmem_shared>>
      tpu.wait_indirect_dma semaphore(%arg40 : memref<!tpu.dma_semaphore, #tpu.memory_space<semaphore_mem>>) src(%arg25 : memref<1024xf32, #tpu.memory_space<vmem>>) dst(%dma_wait3A_369 : memref<100352xf32, #tpu.memory_space<vmem_shared>>)
      %add3A_370 = arith.constant 2 : i32
      %add3A_371 = arith.addi %add3A_367, %add3A_370 : i32
      %lt3A_372 = arith.constant 97 : i32
      %lt3A_373 = arith.cmpi slt, %add3A_371, %lt3A_372 : i32
      %convert_element_type3A_374 = arith.extui %lt3A_373 : i1 to i32
      %cond3A_375 = arith.constant 0 : i32
      %cond3A_376 = arith.cmpi ne, %convert_element_type3A_374, %cond3A_375 : i32
      scf.if %cond3A_376 {
        %add3A_391 = arith.constant 2 : i32
        %add3A_392 = arith.addi %add3A_367, %add3A_391 : i32
        %mul3A_393 = arith.constant 1024 : i32
        %mul3A_394 = arith.muli %add3A_392, %mul3A_393 : i32
        %add3A_395 = arith.addi %mul3A_2, %mul3A_394 : i32
        %dma_start3A_396 = tpu.memref_slice %arg3[%add3A_395] : memref<3200000xi32, #tpu.memory_space<hbm>> -> memref<1024xi32, #tpu.memory_space<hbm>>
        %dma_start3A_397 = tpu.memref_slice %arg3[%add3A_395] : memref<3200000xi32, #tpu.memory_space<hbm>> -> memref<1024xi32, #tpu.memory_space<hbm>>
        tpu.enqueue_dma source(%dma_start3A_397 : memref<1024xi32, #tpu.memory_space<hbm>>) target(%arg10 : memref<1024xi32, #tpu.memory_space<vmem>>) target_semaphore(%arg35 : memref<!tpu.dma_semaphore, #tpu.memory_space<semaphore_mem>>)
        %dma_start3A_398 = tpu.memref_slice %arg4[%add3A_395] : memref<3200000xi32, #tpu.memory_space<hbm>> -> memref<1024xi32, #tpu.memory_space<hbm>>
        %dma_start3A_399 = tpu.memref_slice %arg4[%add3A_395] : memref<3200000xi32, #tpu.memory_space<hbm>> -> memref<1024xi32, #tpu.memory_space<hbm>>
        tpu.enqueue_dma source(%dma_start3A_399 : memref<1024xi32, #tpu.memory_space<hbm>>) target(%arg15 : memref<1024xi32, #tpu.memory_space<vmem>>) target_semaphore(%arg35 : memref<!tpu.dma_semaphore, #tpu.memory_space<semaphore_mem>>)
        %dma_start3A_400 = tpu.memref_slice %arg5[%add3A_395] : memref<3200000xf32, #tpu.memory_space<hbm>> -> memref<1024xf32, #tpu.memory_space<hbm>>
        %dma_start3A_401 = tpu.memref_slice %arg5[%add3A_395] : memref<3200000xf32, #tpu.memory_space<hbm>> -> memref<1024xf32, #tpu.memory_space<hbm>>
        tpu.enqueue_dma source(%dma_start3A_401 : memref<1024xf32, #tpu.memory_space<hbm>>) target(%arg20 : memref<1024xf32, #tpu.memory_space<vmem>>) target_semaphore(%arg35 : memref<!tpu.dma_semaphore, #tpu.memory_space<semaphore_mem>>)
      } else {
      }
      %mul3A_377 = arith.constant 1024 : i32
      %mul3A_378 = arith.muli %add3A_367, %mul3A_377 : i32
      %add3A_379 = arith.addi %mul3A_2, %mul3A_378 : i32
      %dma_wait3A_380 = tpu.memref_slice %arg3[%add3A_379] : memref<3200000xi32, #tpu.memory_space<hbm>> -> memref<1024xi32, #tpu.memory_space<hbm>>
      %dma_wait3A_381 = tpu.memref_slice %arg3[%add3A_379] : memref<3200000xi32, #tpu.memory_space<hbm>> -> memref<1024xi32, #tpu.memory_space<hbm>>
      tpu.wait_dma2 semaphore(%arg38 : memref<!tpu.dma_semaphore, #tpu.memory_space<semaphore_mem>>) src(%dma_wait3A_381 : memref<1024xi32, #tpu.memory_space<hbm>>) dst(%arg13 : memref<1024xi32, #tpu.memory_space<vmem>>)
      %dma_wait3A_382 = tpu.memref_slice %arg4[%add3A_379] : memref<3200000xi32, #tpu.memory_space<hbm>> -> memref<1024xi32, #tpu.memory_space<hbm>>
      %dma_wait3A_383 = tpu.memref_slice %arg4[%add3A_379] : memref<3200000xi32, #tpu.memory_space<hbm>> -> memref<1024xi32, #tpu.memory_space<hbm>>
      tpu.wait_dma2 semaphore(%arg38 : memref<!tpu.dma_semaphore, #tpu.memory_space<semaphore_mem>>) src(%dma_wait3A_383 : memref<1024xi32, #tpu.memory_space<hbm>>) dst(%arg18 : memref<1024xi32, #tpu.memory_space<vmem>>)
      %dma_wait3A_384 = tpu.memref_slice %arg5[%add3A_379] : memref<3200000xf32, #tpu.memory_space<hbm>> -> memref<1024xf32, #tpu.memory_space<hbm>>
      %dma_wait3A_385 = tpu.memref_slice %arg5[%add3A_379] : memref<3200000xf32, #tpu.memory_space<hbm>> -> memref<1024xf32, #tpu.memory_space<hbm>>
      tpu.wait_dma2 semaphore(%arg38 : memref<!tpu.dma_semaphore, #tpu.memory_space<semaphore_mem>>) src(%dma_wait3A_385 : memref<1024xf32, #tpu.memory_space<hbm>>) dst(%arg23 : memref<1024xf32, #tpu.memory_space<vmem>>)
      %parallel_loop3A_386 = arith.constant 0 : i32
      %parallel_loop3A_387 = arith.constant 1024 : i32
      %parallel_loop3A_388 = arith.constant 16 : i32
      scf.for %parallel_loop3A_391 = %parallel_loop3A_386 to %parallel_loop3A_387 step %parallel_loop3A_388  : i32 {
        %parallel_loop3A_392 = arith.index_cast %parallel_loop3A_391 : i32 to index
        %parallel_loop3A_393 = tpu.vector_load %arg13[%parallel_loop3A_392] {strides = array<i32>} : memref<1024xi32, #tpu.memory_space<vmem>>, vector<16xi32>,
        %parallel_loop3A_394 = arith.index_cast %parallel_loop3A_391 : i32 to index
        %parallel_loop3A_395 = tpu.vector_load %arg18[%parallel_loop3A_394] {strides = array<i32>} : memref<1024xi32, #tpu.memory_space<vmem>>, vector<16xi32>,
        %parallel_loop3A_396 = arith.index_cast %parallel_loop3A_391 : i32 to index
        %parallel_loop3A_397 = tpu.vector_load %arg23[%parallel_loop3A_396] {strides = array<i32>} : memref<1024xf32, #tpu.memory_space<vmem>>, vector<16xf32>,
        %parallel_loop3A_398 = tpu.vector_load_idx %arg8[%parallel_loop3A_393] : memref<100000xf32, #tpu.memory_space<vmem>>[vector<16xi32>], vector<16xf32>,
        %parallel_loop3A_399 = tpu.vector_load_idx %arg8[%parallel_loop3A_395] : memref<100000xf32, #tpu.memory_space<vmem>>[vector<16xi32>], vector<16xf32>,
        %parallel_loop3A_400 = arith.mulf %parallel_loop3A_398, %parallel_loop3A_397 : vector<16xf32>
        %parallel_loop3A_401 = arith.constant 0.000000e+00 : f32
        %parallel_loop3A_402 = vector.broadcast %parallel_loop3A_401 : f32 to vector<16xf32>
        %parallel_loop3A_403 = arith.cmpf ogt, %parallel_loop3A_400, %parallel_loop3A_402 : vector<16xf32>
        %parallel_loop3A_404 = arith.subf %parallel_loop3A_399, %parallel_loop3A_398 : vector<16xf32>
        %parallel_loop3A_405 = arith.divf %parallel_loop3A_404, %parallel_loop3A_397 : vector<16xf32>
        %parallel_loop3A_406 = arith.constant 0.000000e+00 : f32
        %parallel_loop3A_407 = vector.broadcast %parallel_loop3A_406 : f32 to vector<16xf32>
        %parallel_loop3A_408 = arith.select %parallel_loop3A_403, %parallel_loop3A_405, %parallel_loop3A_407 : vector<16xi1>, vector<16xf32>
        %parallel_loop3A_409 = arith.index_cast %parallel_loop3A_391 : i32 to index
        %parallel_loop3A_410 = tpu.vector_load %arg28[%parallel_loop3A_409] {strides = array<i32>} : memref<1024xf32, #tpu.memory_space<vmem>>, vector<16xf32>,
        tpu.vector_store %arg28[%parallel_loop3A_409], %parallel_loop3A_408 {strides = array<i32>} : memref<1024xf32, #tpu.memory_space<vmem>>, vector<16xf32>,
      } {sc.loop_unroll_factor = 4 : i64, sc.parallel_access}
      %dma_start3A_389 = arith.constant 0 : i32
      %dma_start3A_390 = tpu.memref_slice %arg33[%dma_start3A_389] : memref<100352xf32, #tpu.memory_space<vmem_shared>> -> memref<100352xf32, #tpu.memory_space<vmem_shared>>
      tpu.enqueue_indirect_dma source(%arg28 : memref<1024xf32, #tpu.memory_space<vmem>>) target(%dma_start3A_390 : memref<100352xf32, #tpu.memory_space<vmem_shared>>) offsets(%arg18 : memref<1024xi32, #tpu.memory_space<vmem>>) semaphore(%arg43 : memref<!tpu.dma_semaphore, #tpu.memory_space<semaphore_mem>>) {add = true}
    }
    %scan3A_192 = arith.constant 19 : i32
    %add3A_193 = arith.constant 97280 : i32
    %add3A_194 = arith.addi %mul3A_2, %add3A_193 : i32
    %dma_wait3A_195 = tpu.memref_slice %arg3[%add3A_194] : memref<3200000xi32, #tpu.memory_space<hbm>> -> memref<1024xi32, #tpu.memory_space<hbm>>
    %dma_wait3A_196 = tpu.memref_slice %arg3[%add3A_194] : memref<3200000xi32, #tpu.memory_space<hbm>> -> memref<1024xi32, #tpu.memory_space<hbm>>
    tpu.wait_dma2 semaphore(%arg34 : memref<!tpu.dma_semaphore, #tpu.memory_space<semaphore_mem>>) src(%dma_wait3A_196 : memref<1024xi32, #tpu.memory_space<hbm>>) dst(%arg9 : memref<1024xi32, #tpu.memory_space<vmem>>)
    %dma_wait3A_197 = tpu.memref_slice %arg4[%add3A_194] : memref<3200000xi32, #tpu.memory_space<hbm>> -> memref<1024xi32, #tpu.memory_space<hbm>>
    %dma_wait3A_198 = tpu.memref_slice %arg4[%add3A_194] : memref<3200000xi32, #tpu.memory_space<hbm>> -> memref<1024xi32, #tpu.memory_space<hbm>>
    tpu.wait_dma2 semaphore(%arg34 : memref<!tpu.dma_semaphore, #tpu.memory_space<semaphore_mem>>) src(%dma_wait3A_198 : memref<1024xi32, #tpu.memory_space<hbm>>) dst(%arg14 : memref<1024xi32, #tpu.memory_space<vmem>>)
    %dma_wait3A_199 = tpu.memref_slice %arg5[%add3A_194] : memref<3200000xf32, #tpu.memory_space<hbm>> -> memref<1024xf32, #tpu.memory_space<hbm>>
    %dma_wait3A_200 = tpu.memref_slice %arg5[%add3A_194] : memref<3200000xf32, #tpu.memory_space<hbm>> -> memref<1024xf32, #tpu.memory_space<hbm>>
    tpu.wait_dma2 semaphore(%arg34 : memref<!tpu.dma_semaphore, #tpu.memory_space<semaphore_mem>>) src(%dma_wait3A_200 : memref<1024xf32, #tpu.memory_space<hbm>>) dst(%arg19 : memref<1024xf32, #tpu.memory_space<vmem>>)
    %parallel_loop3A = arith.constant 0 : i32
    %parallel_loop3A_201 = arith.constant 1024 : i32
    %parallel_loop3A_202 = arith.constant 16 : i32
    scf.for %parallel_loop3A_244 = %parallel_loop3A to %parallel_loop3A_201 step %parallel_loop3A_202  : i32 {
      %parallel_loop3A_245 = arith.index_cast %parallel_loop3A_244 : i32 to index
      %parallel_loop3A_246 = tpu.vector_load %arg9[%parallel_loop3A_245] {strides = array<i32>} : memref<1024xi32, #tpu.memory_space<vmem>>, vector<16xi32>,
      %parallel_loop3A_247 = arith.index_cast %parallel_loop3A_244 : i32 to index
      %parallel_loop3A_248 = tpu.vector_load %arg14[%parallel_loop3A_247] {strides = array<i32>} : memref<1024xi32, #tpu.memory_space<vmem>>, vector<16xi32>,
      %parallel_loop3A_249 = arith.index_cast %parallel_loop3A_244 : i32 to index
      %parallel_loop3A_250 = tpu.vector_load %arg19[%parallel_loop3A_249] {strides = array<i32>} : memref<1024xf32, #tpu.memory_space<vmem>>, vector<16xf32>,
      %parallel_loop3A_251 = tpu.vector_load_idx %arg8[%parallel_loop3A_246] : memref<100000xf32, #tpu.memory_space<vmem>>[vector<16xi32>], vector<16xf32>,
      %parallel_loop3A_252 = tpu.vector_load_idx %arg8[%parallel_loop3A_248] : memref<100000xf32, #tpu.memory_space<vmem>>[vector<16xi32>], vector<16xf32>,
      %parallel_loop3A_253 = arith.mulf %parallel_loop3A_251, %parallel_loop3A_250 : vector<16xf32>
      %parallel_loop3A_254 = arith.constant 0.000000e+00 : f32
      %parallel_loop3A_255 = vector.broadcast %parallel_loop3A_254 : f32 to vector<16xf32>
      %parallel_loop3A_256 = arith.cmpf ogt, %parallel_loop3A_253, %parallel_loop3A_255 : vector<16xf32>
      %parallel_loop3A_257 = arith.subf %parallel_loop3A_252, %parallel_loop3A_251 : vector<16xf32>
      %parallel_loop3A_258 = arith.divf %parallel_loop3A_257, %parallel_loop3A_250 : vector<16xf32>
      %parallel_loop3A_259 = arith.constant 0.000000e+00 : f32
      %parallel_loop3A_260 = vector.broadcast %parallel_loop3A_259 : f32 to vector<16xf32>
      %parallel_loop3A_261 = arith.select %parallel_loop3A_256, %parallel_loop3A_258, %parallel_loop3A_260 : vector<16xi1>, vector<16xf32>
      %parallel_loop3A_262 = arith.index_cast %parallel_loop3A_244 : i32 to index
      %parallel_loop3A_263 = tpu.vector_load %arg24[%parallel_loop3A_262] {strides = array<i32>} : memref<1024xf32, #tpu.memory_space<vmem>>, vector<16xf32>,
      tpu.vector_store %arg24[%parallel_loop3A_262], %parallel_loop3A_261 {strides = array<i32>} : memref<1024xf32, #tpu.memory_space<vmem>>, vector<16xf32>,
    } {sc.loop_unroll_factor = 4 : i64, sc.parallel_access}
    %dma_start3A_203 = arith.constant 0 : i32
    %dma_start3A_204 = tpu.memref_slice %arg33[%dma_start3A_203] : memref<100352xf32, #tpu.memory_space<vmem_shared>> -> memref<100352xf32, #tpu.memory_space<vmem_shared>>
    tpu.enqueue_indirect_dma source(%arg24 : memref<1024xf32, #tpu.memory_space<vmem>>) target(%dma_start3A_204 : memref<100352xf32, #tpu.memory_space<vmem_shared>>) offsets(%arg14 : memref<1024xi32, #tpu.memory_space<vmem>>) semaphore(%arg39 : memref<!tpu.dma_semaphore, #tpu.memory_space<semaphore_mem>>) {add = true}
    %add3A_205 = arith.constant 98304 : i32
    %add3A_206 = arith.addi %mul3A_2, %add3A_205 : i32
    %dma_wait3A_207 = tpu.memref_slice %arg3[%add3A_206] : memref<3200000xi32, #tpu.memory_space<hbm>> -> memref<1024xi32, #tpu.memory_space<hbm>>
    %dma_wait3A_208 = tpu.memref_slice %arg3[%add3A_206] : memref<3200000xi32, #tpu.memory_space<hbm>> -> memref<1024xi32, #tpu.memory_space<hbm>>
    tpu.wait_dma2 semaphore(%arg35 : memref<!tpu.dma_semaphore, #tpu.memory_space<semaphore_mem>>) src(%dma_wait3A_208 : memref<1024xi32, #tpu.memory_space<hbm>>) dst(%arg10 : memref<1024xi32, #tpu.memory_space<vmem>>)
    %dma_wait3A_209 = tpu.memref_slice %arg4[%add3A_206] : memref<3200000xi32, #tpu.memory_space<hbm>> -> memref<1024xi32, #tpu.memory_space<hbm>>
    %dma_wait3A_210 = tpu.memref_slice %arg4[%add3A_206] : memref<3200000xi32, #tpu.memory_space<hbm>> -> memref<1024xi32, #tpu.memory_space<hbm>>
    tpu.wait_dma2 semaphore(%arg35 : memref<!tpu.dma_semaphore, #tpu.memory_space<semaphore_mem>>) src(%dma_wait3A_210 : memref<1024xi32, #tpu.memory_space<hbm>>) dst(%arg15 : memref<1024xi32, #tpu.memory_space<vmem>>)
    %dma_wait3A_211 = tpu.memref_slice %arg5[%add3A_206] : memref<3200000xf32, #tpu.memory_space<hbm>> -> memref<1024xf32, #tpu.memory_space<hbm>>
    %dma_wait3A_212 = tpu.memref_slice %arg5[%add3A_206] : memref<3200000xf32, #tpu.memory_space<hbm>> -> memref<1024xf32, #tpu.memory_space<hbm>>
    tpu.wait_dma2 semaphore(%arg35 : memref<!tpu.dma_semaphore, #tpu.memory_space<semaphore_mem>>) src(%dma_wait3A_212 : memref<1024xf32, #tpu.memory_space<hbm>>) dst(%arg20 : memref<1024xf32, #tpu.memory_space<vmem>>)
    %parallel_loop3A_213 = arith.constant 0 : i32
    %parallel_loop3A_214 = arith.constant 1024 : i32
    %parallel_loop3A_215 = arith.constant 16 : i32
    scf.for %parallel_loop3A_244 = %parallel_loop3A_213 to %parallel_loop3A_214 step %parallel_loop3A_215  : i32 {
      %parallel_loop3A_245 = arith.index_cast %parallel_loop3A_244 : i32 to index
      %parallel_loop3A_246 = tpu.vector_load %arg10[%parallel_loop3A_245] {strides = array<i32>} : memref<1024xi32, #tpu.memory_space<vmem>>, vector<16xi32>,
      %parallel_loop3A_247 = arith.index_cast %parallel_loop3A_244 : i32 to index
      %parallel_loop3A_248 = tpu.vector_load %arg15[%parallel_loop3A_247] {strides = array<i32>} : memref<1024xi32, #tpu.memory_space<vmem>>, vector<16xi32>,
      %parallel_loop3A_249 = arith.index_cast %parallel_loop3A_244 : i32 to index
      %parallel_loop3A_250 = tpu.vector_load %arg20[%parallel_loop3A_249] {strides = array<i32>} : memref<1024xf32, #tpu.memory_space<vmem>>, vector<16xf32>,
      %parallel_loop3A_251 = tpu.vector_load_idx %arg8[%parallel_loop3A_246] : memref<100000xf32, #tpu.memory_space<vmem>>[vector<16xi32>], vector<16xf32>,
      %parallel_loop3A_252 = tpu.vector_load_idx %arg8[%parallel_loop3A_248] : memref<100000xf32, #tpu.memory_space<vmem>>[vector<16xi32>], vector<16xf32>,
      %parallel_loop3A_253 = arith.mulf %parallel_loop3A_251, %parallel_loop3A_250 : vector<16xf32>
      %parallel_loop3A_254 = arith.constant 0.000000e+00 : f32
      %parallel_loop3A_255 = vector.broadcast %parallel_loop3A_254 : f32 to vector<16xf32>
      %parallel_loop3A_256 = arith.cmpf ogt, %parallel_loop3A_253, %parallel_loop3A_255 : vector<16xf32>
      %parallel_loop3A_257 = arith.subf %parallel_loop3A_252, %parallel_loop3A_251 : vector<16xf32>
      %parallel_loop3A_258 = arith.divf %parallel_loop3A_257, %parallel_loop3A_250 : vector<16xf32>
      %parallel_loop3A_259 = arith.constant 0.000000e+00 : f32
      %parallel_loop3A_260 = vector.broadcast %parallel_loop3A_259 : f32 to vector<16xf32>
      %parallel_loop3A_261 = arith.select %parallel_loop3A_256, %parallel_loop3A_258, %parallel_loop3A_260 : vector<16xi1>, vector<16xf32>
      %parallel_loop3A_262 = arith.index_cast %parallel_loop3A_244 : i32 to index
      %parallel_loop3A_263 = tpu.vector_load %arg25[%parallel_loop3A_262] {strides = array<i32>} : memref<1024xf32, #tpu.memory_space<vmem>>, vector<16xf32>,
      tpu.vector_store %arg25[%parallel_loop3A_262], %parallel_loop3A_261 {strides = array<i32>} : memref<1024xf32, #tpu.memory_space<vmem>>, vector<16xf32>,
    } {sc.loop_unroll_factor = 4 : i64, sc.parallel_access}
    %dma_start3A_216 = arith.constant 0 : i32
    %dma_start3A_217 = tpu.memref_slice %arg33[%dma_start3A_216] : memref<100352xf32, #tpu.memory_space<vmem_shared>> -> memref<100352xf32, #tpu.memory_space<vmem_shared>>
    tpu.enqueue_indirect_dma source(%arg25 : memref<1024xf32, #tpu.memory_space<vmem>>) target(%dma_start3A_217 : memref<100352xf32, #tpu.memory_space<vmem_shared>>) offsets(%arg15 : memref<1024xi32, #tpu.memory_space<vmem>>) semaphore(%arg40 : memref<!tpu.dma_semaphore, #tpu.memory_space<semaphore_mem>>) {add = true}
    %add3A_218 = arith.constant 99328 : i32
    %add3A_219 = arith.addi %mul3A_2, %add3A_218 : i32
    %dma_wait3A_220 = tpu.memref_slice %arg3[%add3A_219] : memref<3200000xi32, #tpu.memory_space<hbm>> -> memref<672xi32, #tpu.memory_space<hbm>>
    %dma_wait3A_221 = tpu.memref_slice %arg3[%add3A_219] : memref<3200000xi32, #tpu.memory_space<hbm>> -> memref<672xi32, #tpu.memory_space<hbm>>
    tpu.wait_dma2 semaphore(%arg44 : memref<!tpu.dma_semaphore, #tpu.memory_space<semaphore_mem>>) src(%dma_wait3A_221 : memref<672xi32, #tpu.memory_space<hbm>>) dst(%arg29 : memref<672xi32, #tpu.memory_space<vmem>>)
    %dma_wait3A_222 = tpu.memref_slice %arg4[%add3A_219] : memref<3200000xi32, #tpu.memory_space<hbm>> -> memref<672xi32, #tpu.memory_space<hbm>>
    %dma_wait3A_223 = tpu.memref_slice %arg4[%add3A_219] : memref<3200000xi32, #tpu.memory_space<hbm>> -> memref<672xi32, #tpu.memory_space<hbm>>
    tpu.wait_dma2 semaphore(%arg44 : memref<!tpu.dma_semaphore, #tpu.memory_space<semaphore_mem>>) src(%dma_wait3A_223 : memref<672xi32, #tpu.memory_space<hbm>>) dst(%arg30 : memref<672xi32, #tpu.memory_space<vmem>>)
    %dma_wait3A_224 = tpu.memref_slice %arg5[%add3A_219] : memref<3200000xf32, #tpu.memory_space<hbm>> -> memref<672xf32, #tpu.memory_space<hbm>>
    %dma_wait3A_225 = tpu.memref_slice %arg5[%add3A_219] : memref<3200000xf32, #tpu.memory_space<hbm>> -> memref<672xf32, #tpu.memory_space<hbm>>
    tpu.wait_dma2 semaphore(%arg44 : memref<!tpu.dma_semaphore, #tpu.memory_space<semaphore_mem>>) src(%dma_wait3A_225 : memref<672xf32, #tpu.memory_space<hbm>>) dst(%arg31 : memref<672xf32, #tpu.memory_space<vmem>>)
    %parallel_loop3A_226 = arith.constant 0 : i32
    %parallel_loop3A_227 = arith.constant 672 : i32
    %parallel_loop3A_228 = arith.constant 16 : i32
    scf.for %parallel_loop3A_244 = %parallel_loop3A_226 to %parallel_loop3A_227 step %parallel_loop3A_228  : i32 {
      %parallel_loop3A_245 = arith.index_cast %parallel_loop3A_244 : i32 to index
      %parallel_loop3A_246 = tpu.vector_load %arg29[%parallel_loop3A_245] {strides = array<i32>} : memref<672xi32, #tpu.memory_space<vmem>>, vector<16xi32>,
      %parallel_loop3A_247 = arith.index_cast %parallel_loop3A_244 : i32 to index
      %parallel_loop3A_248 = tpu.vector_load %arg30[%parallel_loop3A_247] {strides = array<i32>} : memref<672xi32, #tpu.memory_space<vmem>>, vector<16xi32>,
      %parallel_loop3A_249 = arith.index_cast %parallel_loop3A_244 : i32 to index
      %parallel_loop3A_250 = tpu.vector_load %arg31[%parallel_loop3A_249] {strides = array<i32>} : memref<672xf32, #tpu.memory_space<vmem>>, vector<16xf32>,
      %parallel_loop3A_251 = tpu.vector_load_idx %arg8[%parallel_loop3A_246] : memref<100000xf32, #tpu.memory_space<vmem>>[vector<16xi32>], vector<16xf32>,
      %parallel_loop3A_252 = tpu.vector_load_idx %arg8[%parallel_loop3A_248] : memref<100000xf32, #tpu.memory_space<vmem>>[vector<16xi32>], vector<16xf32>,
      %parallel_loop3A_253 = arith.mulf %parallel_loop3A_251, %parallel_loop3A_250 : vector<16xf32>
      %parallel_loop3A_254 = arith.constant 0.000000e+00 : f32
      %parallel_loop3A_255 = vector.broadcast %parallel_loop3A_254 : f32 to vector<16xf32>
      %parallel_loop3A_256 = arith.cmpf ogt, %parallel_loop3A_253, %parallel_loop3A_255 : vector<16xf32>
      %parallel_loop3A_257 = arith.subf %parallel_loop3A_252, %parallel_loop3A_251 : vector<16xf32>
      %parallel_loop3A_258 = arith.divf %parallel_loop3A_257, %parallel_loop3A_250 : vector<16xf32>
      %parallel_loop3A_259 = arith.constant 0.000000e+00 : f32
      %parallel_loop3A_260 = vector.broadcast %parallel_loop3A_259 : f32 to vector<16xf32>
      %parallel_loop3A_261 = arith.select %parallel_loop3A_256, %parallel_loop3A_258, %parallel_loop3A_260 : vector<16xi1>, vector<16xf32>
      %parallel_loop3A_262 = arith.index_cast %parallel_loop3A_244 : i32 to index
      %parallel_loop3A_263 = tpu.vector_load %arg32[%parallel_loop3A_262] {strides = array<i32>} : memref<672xf32, #tpu.memory_space<vmem>>, vector<16xf32>,
      tpu.vector_store %arg32[%parallel_loop3A_262], %parallel_loop3A_261 {strides = array<i32>} : memref<672xf32, #tpu.memory_space<vmem>>, vector<16xf32>,
    } {sc.loop_unroll_factor = 4 : i64, sc.parallel_access}
    "tpu.region"() ({
      %run_scoped3A = tpu.sem_alloc : memref<!tpu.dma_semaphore, #tpu.memory_space<semaphore_mem>>
      %dma_start3A_244 = arith.constant 0 : i32
      %dma_start3A_245 = tpu.memref_slice %arg33[%dma_start3A_244] : memref<100352xf32, #tpu.memory_space<vmem_shared>> -> memref<100352xf32, #tpu.memory_space<vmem_shared>>
      tpu.enqueue_indirect_dma source(%arg32 : memref<672xf32, #tpu.memory_space<vmem>>) target(%dma_start3A_245 : memref<100352xf32, #tpu.memory_space<vmem_shared>>) offsets(%arg30 : memref<672xi32, #tpu.memory_space<vmem>>) semaphore(%run_scoped3A : memref<!tpu.dma_semaphore, #tpu.memory_space<semaphore_mem>>) {add = true}
      %dma_wait3A_246 = arith.constant 0 : i32
      %dma_wait3A_247 = tpu.memref_slice %arg33[%dma_wait3A_246] : memref<100352xf32, #tpu.memory_space<vmem_shared>> -> memref<100352xf32, #tpu.memory_space<vmem_shared>>
      tpu.wait_indirect_dma semaphore(%run_scoped3A : memref<!tpu.dma_semaphore, #tpu.memory_space<semaphore_mem>>) src(%arg32 : memref<672xf32, #tpu.memory_space<vmem>>) dst(%dma_wait3A_247 : memref<100352xf32, #tpu.memory_space<vmem_shared>>)
      tpu.yield
    }) : () -> ()
    %dma_wait3A_229 = arith.constant 0 : i32
    %dma_wait3A_230 = tpu.memref_slice %arg33[%dma_wait3A_229] : memref<100352xf32, #tpu.memory_space<vmem_shared>> -> memref<100352xf32, #tpu.memory_space<vmem_shared>>
    tpu.wait_indirect_dma semaphore(%arg41 : memref<!tpu.dma_semaphore, #tpu.memory_space<semaphore_mem>>) src(%arg26 : memref<1024xf32, #tpu.memory_space<vmem>>) dst(%dma_wait3A_230 : memref<100352xf32, #tpu.memory_space<vmem_shared>>)
    %dma_wait3A_231 = arith.constant 0 : i32
    %dma_wait3A_232 = tpu.memref_slice %arg33[%dma_wait3A_231] : memref<100352xf32, #tpu.memory_space<vmem_shared>> -> memref<100352xf32, #tpu.memory_space<vmem_shared>>
    tpu.wait_indirect_dma semaphore(%arg42 : memref<!tpu.dma_semaphore, #tpu.memory_space<semaphore_mem>>) src(%arg27 : memref<1024xf32, #tpu.memory_space<vmem>>) dst(%dma_wait3A_232 : memref<100352xf32, #tpu.memory_space<vmem_shared>>)
    %dma_wait3A_233 = arith.constant 0 : i32
    %dma_wait3A_234 = tpu.memref_slice %arg33[%dma_wait3A_233] : memref<100352xf32, #tpu.memory_space<vmem_shared>> -> memref<100352xf32, #tpu.memory_space<vmem_shared>>
    tpu.wait_indirect_dma semaphore(%arg43 : memref<!tpu.dma_semaphore, #tpu.memory_space<semaphore_mem>>) src(%arg28 : memref<1024xf32, #tpu.memory_space<vmem>>) dst(%dma_wait3A_234 : memref<100352xf32, #tpu.memory_space<vmem_shared>>)
    %dma_wait3A_235 = arith.constant 0 : i32
    %dma_wait3A_236 = tpu.memref_slice %arg33[%dma_wait3A_235] : memref<100352xf32, #tpu.memory_space<vmem_shared>> -> memref<100352xf32, #tpu.memory_space<vmem_shared>>
    tpu.wait_indirect_dma semaphore(%arg39 : memref<!tpu.dma_semaphore, #tpu.memory_space<semaphore_mem>>) src(%arg24 : memref<1024xf32, #tpu.memory_space<vmem>>) dst(%dma_wait3A_236 : memref<100352xf32, #tpu.memory_space<vmem_shared>>)
    %dma_wait3A_237 = arith.constant 0 : i32
    %dma_wait3A_238 = tpu.memref_slice %arg33[%dma_wait3A_237] : memref<100352xf32, #tpu.memory_space<vmem_shared>> -> memref<100352xf32, #tpu.memory_space<vmem_shared>>
    tpu.wait_indirect_dma semaphore(%arg40 : memref<!tpu.dma_semaphore, #tpu.memory_space<semaphore_mem>>) src(%arg25 : memref<1024xf32, #tpu.memory_space<vmem>>) dst(%dma_wait3A_238 : memref<100352xf32, #tpu.memory_space<vmem_shared>>)
    %barrier3A_239 = arith.constant 0 : index
    tpu.barrier barrier_id(%barrier3A_239)
    %mul3A_240 = arith.constant 6272 : i32
    %mul3A_241 = arith.muli %arg1, %mul3A_240 : i32
    %mul3A_242 = arith.constant 6272 : i32
    %mul3A_243 = arith.muli %arg1, %mul3A_242 : i32
    "tpu.region"() ({
      %run_scoped3A = tpu.sem_alloc : memref<!tpu.dma_semaphore, #tpu.memory_space<semaphore_mem>>
      %dma_start3A_244 = tpu.memref_slice %arg7[%arg0, %mul3A_243] : memref<2x100352xf32, #tpu.memory_space<hbm>> -> memref<1x6272xf32, #tpu.memory_space<hbm>>
      %dma_start3A_245 = tpu.memref_squeeze %dma_start3A_244 : memref<1x6272xf32, #tpu.memory_space<hbm>> -> memref<6272xf32, #tpu.memory_space<hbm>>
      %dma_start3A_246 = tpu.memref_slice %arg33[%mul3A_241] : memref<100352xf32, #tpu.memory_space<vmem_shared>> -> memref<6272xf32, #tpu.memory_space<vmem_shared>>
      tpu.enqueue_dma source(%dma_start3A_246 : memref<6272xf32, #tpu.memory_space<vmem_shared>>) target(%dma_start3A_245 : memref<6272xf32, #tpu.memory_space<hbm>>) target_semaphore(%run_scoped3A : memref<!tpu.dma_semaphore, #tpu.memory_space<semaphore_mem>>)
      %dma_wait3A_247 = tpu.memref_slice %arg7[%arg0, %mul3A_243] : memref<2x100352xf32, #tpu.memory_space<hbm>> -> memref<1x6272xf32, #tpu.memory_space<hbm>>
      %dma_wait3A_248 = tpu.memref_squeeze %dma_wait3A_247 : memref<1x6272xf32, #tpu.memory_space<hbm>> -> memref<6272xf32, #tpu.memory_space<hbm>>
      %dma_wait3A_249 = tpu.memref_slice %arg33[%mul3A_241] : memref<100352xf32, #tpu.memory_space<vmem_shared>> -> memref<6272xf32, #tpu.memory_space<vmem_shared>>
      tpu.wait_dma2 semaphore(%run_scoped3A : memref<!tpu.dma_semaphore, #tpu.memory_space<semaphore_mem>>) src(%dma_wait3A_249 : memref<6272xf32, #tpu.memory_space<vmem_shared>>) dst(%dma_wait3A_248 : memref<6272xf32, #tpu.memory_space<hbm>>)
      tpu.yield
    }) : () -> ()
    return
  }
}

module attributes {stable_mosaic.version = 14 : i64} {
  func.func @body(%arg0: memref<2x784x128xf32, #tpu.memory_space<vmem>>, %arg1: memref<784x128xf32, #tpu.memory_space<vmem>>) attributes {dimension_semantics = [], scalar_prefetch = 0 : i64, scratch_operands = 0 : i64, tpu.core_type = #tpu.core_type<tc>} {
    %get3A = arith.constant 0 : index
    %get3A_0 = arith.constant 0 : index
    %get3A_1 = arith.constant 0 : index
    %get3A_2 = vector.load %arg0[%get3A, %get3A_0, %get3A_1] : memref<2x784x128xf32, #tpu.memory_space<vmem>>, vector<1x784x128xf32>
    %get3A_3 = vector.shape_cast %get3A_2 : vector<1x784x128xf32> to vector<784x128xf32>
    %get3A_4 = arith.constant 1 : index
    %get3A_5 = arith.constant 0 : index
    %get3A_6 = arith.constant 0 : index
    %get3A_7 = vector.load %arg0[%get3A_4, %get3A_5, %get3A_6] : memref<2x784x128xf32, #tpu.memory_space<vmem>>, vector<1x784x128xf32>
    %get3A_8 = vector.shape_cast %get3A_7 : vector<1x784x128xf32> to vector<784x128xf32>
    %add3A = arith.addf %get3A_3, %get3A_8 : vector<784x128xf32>
    %swap3A = arith.constant 0 : index
    %swap3A_9 = arith.constant 0 : index
    %swap3A_10 = vector.load %arg1[%swap3A, %swap3A_9] : memref<784x128xf32, #tpu.memory_space<vmem>>, vector<784x128xf32>
    tpu.vector_store %arg1[%swap3A, %swap3A_9], %add3A {strides = array<i32>} : memref<784x128xf32, #tpu.memory_space<vmem>>, vector<784x128xf32>,
    return
  }
}

</mosaic_0001>

<sc_bundles>
// kernel: kernel.4.cloned.1.call-start
scs
__scs_entry_jumppad:
0x0: {  	(pc) =	sbr.rel $0x88, $3  }
0x1: {  	(tag) =	ssettag $0x0;
	lr =	simm.s32 $0x1  }
0x2: {  	[smem:$0x3F9E] =	sst lr;
	_ =	strace $0xD0000000  }
0x3: {  	_ = 	snop  }
0x4: {  	_ = 	snop  }
0x5: {  	_ = 	snop  }
0x6: {  	_ = 	snop  }
0x7: {  	_ = 	snop  }
__scs_overlays_trampoline_lowered:
0x8: {  	[smem:$0x3FAD] =	sst s0  }
0x9: {  	[smem:$0x3FAE] =	sst s1  }
0xa: {  	[smem:$0x3FAF] =	sst s2  }
0xb: {  	[smem:$0x3FB0] =	sst s3  }
0xc: {  	[smem:$0x3FB1] =	sst s4  }
0xd: {  	[smem:$0x3FB2] =	sst s5  }
0xe: {  	[smem:$0x3FB3] =	sst s6  }
0xf: {  	[smem:$0x3FB4] =	sst s7  }
0x10: {  	[smem:$0x3FB5] =	sst s8  }
0x11: {  	[smem:$0x3FB6] =	sst s9;
	s0 =	simm.s32 @!p0 $0x0  }
0x12: {  	s1 =	sld [smem:$0x3F9C];
	s0 =	simm.s32 @p0 $0x1  }
0x13: {  	[smem:$0x3FB7] =	sst s0;
	s0 =	simm.s32 @!p1 $0x0  }
0x14: {  	s2 =	sld [smem:$0x3F9B];
	s0 =	simm.s32 @p1 $0x1  }
0x15: {  	[smem:$0x3FB8] =	sst s0;
	s0 =	simm.s32 @!p2 $0x0  }
0x16: {  	s3 =	sld [smem:$0x3FDB];
	s0 =	simm.s32 @p2 $0x1  }
0x17: {  	s4 =	simm.s32 $0x1BF5;
	[smem:$0x3FBA] =	sst s0  }
0x18: {  	s0 =	sld [smem:$0x3F9D];
	_ =	swait.ge [sflag:s4], $0x0  }
0x19: {  	s7 =	sld [smem:$0x3F9E]  }
0x1a: {  	s8 =	sadd.s32 $0xFFFFE003, lr  }
0x1b: {  	s9 =	sadd.s32 $0xFFFFFEF7, lr;
	s5 =	simm.s32 $0xFFFFFFFF;
	p2 =	slt.u32 s8, $0xFFFFF086  }
0x1c: {  	p1 =	slt.u32 s9, $0xF7A;
	s5 =	simm.s32 @!p2 $0x0  }
0x1d: {  	s5 =	simm.s32 @p1 $0x1;
	p0 =	seq.s32 s7, s2  }
0x1e: {  	s7 =	smul.u32 @!p0 $0xF7A, s2;
	p2 =	seq.s32 @!p0 s5, $0x0  }
0x1f: {  	s9 =	smul.u32 $0xF7A, s1;
	s8 =	simm.s32 @!p0 $0x1BF5;
	p2 =	por !p2, p0  }
0x20: {  	[sflag:s8] =	ssyncset.s32 @!p0 $0xFFFFF086;
	s6 =	sadd.s32 @!p0 s3, s7;
	s7 =	simm.s32 @!p0 $0x108  }
0x21: {  	s3 =	sadd.s32 s3, s9;
	s6 =	sadd.s32 @!p0 $0x88, s6;
	s7 =	simm.s32 @p2 $0x1082  }
0x22: {  	[simem:s7], [sflag:s8] =	dma.local @!p0 [hbm:s6], $0xF7A  }
0x23: {  	s9 =	sor.u32 $0xD0000000, s2;
	s6 =	simm.s32 $0x108;
	_ =	swait.ge @!p0 [sflag:s8], $0x0  }
0x24: {  	s3 =	sadd.s32 $0x88, s3;
	s6 =	simm.s32 @!p1 $0x1082;
	[sflag:s4] =	ssyncset.s32 $0xFFFFF086  }
0x25: {  	[simem:s6], [sflag:s4] =	dma.local [hbm:s3], $0xF7A  }
0x26: {  	[smem:$0x3F9E] =	sst s1;
	(tag) =	ssettag s2;
	_ =	strace s9  }
0x27: {  	s1 =	sld [smem:$0x3FAE]  }
0x28: {  	s2 =	sld [smem:$0x3FAF]  }
0x29: {  	s4 =	sld [smem:$0x3FB1]  }
0x2a: {  	p0 =	seq.s32 s5, $0x0;
	s5 =	sld [smem:$0x3FB2]  }
0x2b: {  	s6 =	sld [smem:$0x3FB3]  }
0x2c: {  	s7 =	sld [smem:$0x3FB4]  }
0x2d: {  	s3 =	simm.s32 $0x108;
	s8 =	sld [smem:$0x3FB5]  }
0x2e: {  	s3 =	simm.s32 @!p0 $0x1082;
	s9 =	sld [smem:$0x3FB6]  }
0x2f: {  	lr =	sadd.s32 s0, s3;
	s0 =	sld [smem:$0x3FAD]  }
0x30: {  	s3 =	sld [smem:$0x3FB0]  }
0x31: {  	[smem:$0x3FB9] =	sst s10  }
0x32: {  	s10 =	sld [smem:$0x3FB7];
	_ =	sdelay $0x3  }
0x33: {  	p0 =	seq.s32 s10, $0x1;
	s10 =	sld [smem:$0x3FB9];
	_ =	sdelay $0x3  }
0x34: {  	[smem:$0x3FB9] =	sst s10  }
0x35: {  	s10 =	sld [smem:$0x3FB8];
	_ =	sdelay $0x3  }
0x36: {  	p1 =	seq.s32 s10, $0x1;
	s10 =	sld [smem:$0x3FB9];
	_ =	sdelay $0x3  }
0x37: {  	[smem:$0x3FB9] =	sst s10  }
0x38: {  	s10 =	sld [smem:$0x3FBA]  }
0x39: {  	_ = 	snop;
	(pc) =	sbr.ind lr, $3  }
0x3a: {  	_ = 	snop  }
0x3b: {  	_ = 	snop  }
0x3c: {  	p2 =	seq.s32 s10, $0x1;
	s10 =	sld [smem:$0x3FB9]  }
0x3d: {  	_ =	shalt  }
0x3e: {  	_ =	shalt  }
0x3f: {  	_ =	shalt  }
0x40: {  	_ =	shalt  }
0x41: {  	_ =	shalt  }
0x42: {  	_ =	shalt  }
0x43: {  	_ =	shalt  }
0x44: {  	_ =	shalt  }
0x45: {  	_ =	shalt  }
0x46: {  	_ =	shalt  }
0x47: {  	_ =	shalt  }
0x48: {  	_ =	shalt  }
0x49: {  	_ =	shalt  }
0x4a: {  	_ =	shalt  }
0x4b: {  	_ =	shalt  }
0x4c: {  	_ =	shalt  }
0x4d: {  	_ =	shalt  }
0x4e: {  	_ =	shalt  }
0x4f: {  	_ =	shalt  }
0x50: {  	_ =	shalt  }
0x51: {  	_ =	shalt  }
0x52: {  	_ =	shalt  }
0x53: {  	_ =	shalt  }
0x54: {  	_ =	shalt  }
0x55: {  	_ =	shalt  }
0x56: {  	_ =	shalt  }
0x57: {  	_ =	shalt  }
0x58: {  	_ =	shalt  }
0x59: {  	_ =	shalt  }
0x5a: {  	_ =	shalt  }
0x5b: {  	_ =	shalt  }
0x5c: {  	_ =	shalt  }
0x5d: {  	_ =	shalt  }
0x5e: {  	_ =	shalt  }
0x5f: {  	_ =	shalt  }
0x60: {  	_ =	shalt  }
0x61: {  	_ =	shalt  }
0x62: {  	_ =	shalt  }
0x63: {  	_ =	shalt  }
0x64: {  	_ =	shalt  }
0x65: {  	_ =	shalt  }
0x66: {  	_ =	shalt  }
0x67: {  	_ =	shalt  }
0x68: {  	_ =	shalt  }
0x69: {  	_ =	shalt  }
0x6a: {  	_ =	shalt  }
0x6b: {  	_ =	shalt  }
0x6c: {  	_ =	shalt  }
0x6d: {  	_ =	shalt  }
0x6e: {  	_ =	shalt  }
0x6f: {  	_ =	shalt  }
0x70: {  	_ =	shalt  }
0x71: {  	_ =	shalt  }
0x72: {  	_ =	shalt  }
0x73: {  	_ =	shalt  }
0x74: {  	_ =	shalt  }
0x75: {  	_ =	shalt  }
0x76: {  	_ =	shalt  }
0x77: {  	_ =	shalt  }
0x78: {  	_ =	shalt  }
0x79: {  	_ =	shalt  }
0x7a: {  	_ =	shalt  }
0x7b: {  	_ =	shalt  }
0x7c: {  	_ =	shalt  }
0x7d: {  	_ =	shalt  }
0x7e: {  	_ =	shalt  }
0x7f: {  	_ =	shalt  }
0x80: {  	_ =	shalt  }
0x81: {  	_ =	shalt  }
0x82: {  	_ =	shalt  }
0x83: {  	_ =	shalt  }
0x84: {  	_ =	shalt  }
0x85: {  	_ =	shalt  }
0x86: {  	_ =	shalt  }
0x87: {  	_ =	shalt  }
.Lfunc_end0:
.L_simem_size_0:
called_computation_lowered:
.L_overlay_start_0:
0x88: {  	s2 =	sld [smem:$0x3FD9]  }
0x89: {  	s3 =	sld [smem:$0x3FFE];
	_ =	sdelay $0x1  }
0x8a: {  	s1 =	srdreg.scid  }
0x8b: {  	s0 =	sand.u32 $0x1, s1  }
0x8c: {  	s17 =	sshll.u32 s0, $0xA;
	s2 =	sadd.s32 s3, s2  }
0x8d: {  	s2 =	sadd.s32 s2, s17  }
0x8e: {  	[smem:$0x3FC5] =	sst s2  }
0x8f: {  	_ = 	snop  }
0x90: {  	s2 =	sld [smem:$0x3FD0];
	(tm) =	ssettm $0x1  }
0x91: {  	s18 =	sld [smem:$0x3FFB];
	_ =	sdelay $0x3  }
0x92: {  	_ =	strace s18  }
0x93: {  	s3 =	sld [smem:$0x3FFC];
	_ =	sdelay $0x3  }
0x94: {  	_ =	strace s3  }
0x95: {  	s3 =	sld [smem:$0x3FFD];
	_ =	sdelay $0x3  }
0x96: {  	_ =	strace s3  }
0x97: {  	_ =	strace $0x8FFFFFFF  }
0x98: {  	s19 =	sld [smem:$0x3FDB];
	_ =	sdelay $0x1  }
0x99: {  	s4 =	simm.s32 $_scs_section_size  }
0x9a: {  	s5 =	simm.s32 $_size__tile_overlayer_lowered;
	s6 =	simm.s32 $_tile_overlayer_lowered  }
0x9b: {  	s22 =	simm.s32 $0x1BFF;
	s21 =	sshll.u32 s6, $0x1;
	s3 =	sadd.s32 s4, s19  }
0x9c: {  	s7 =	simm.s32 $0x0;
	s20 =	sshll.u32 s5, $0x1;
	s5 =	sadd.s32 s21, s3  }
0x9d: {  	[timem:s7], [sflag:s22] =	dma.local [hbm:s5], s20  }
0x9e: {  	_ =	swait.ge [sflag:s22], s20  }
0x9f: {  	s4 =	ssub.s32 $0x0, s20;
	[sflag:s22] =	ssyncset.done $0x0  }
0xa0: {  	[sflag:s22] =	ssyncadd.s32 s4;
	_ =	sdelay $0x1  }
0xa1: {  	s23 =	simm.s32 $0x1B8B  }
0xa2: {  	_ =	swait.ge [sflag:s23], $0x1  }
0xa3: {  	[sflag:s23] =	ssyncset.done $0x0  }
0xa4: {  	s25 =	simm.s32 $0x1B8E;
	s24 =	sld [smem:$0x3FFE];
	[sflag:s23] =	ssyncadd.s32 $0xFFFFFFFF  }
0xa5: {  	s26 =	simm.s32 $execute0_lowered;
	[smem:$0x3FD2] =	sst s25  }
0xa6: {  	s5 =	sshll.u32 s26, $0x1;
	_ =	strace $0x80000046;
	[dreg:$0x1] =	wrdreg $0xFFFFFFFF  }
0xa7: {  	s28 =	simm.s32 $_size_execute0_lowered;
	s3 =	sadd.s32 s3, s5;
	[dreg:$0x0] =	wrdreg $0x0  }
0xa8: {  	s5 =	sshll.u32 s28, $0x1;
	[dreg:$0x2] =	wrdreg s3  }
0xa9: {  	[dreg:$0x3] =	wrdreg s5  }
0xaa: {  	[dreg:$0x4] =	wrdreg $0xC0  }
0xab: {  	_ =	task [dreg:s7], $0x5FFFF  }
0xac: {  	[dreg:$0x1] =	wrdreg $0xFFFFFFFF  }
0xad: {  	[dreg:$0x0] =	wrdreg $0x60  }
0xae: {  	[dreg:$0x2] =	wrdreg s2  }
0xaf: {  	[dreg:$0x3] =	wrdreg s24  }
0xb0: {  	[dreg:$0x4] =	wrdreg $0x1E3000  }
0xb1: {  	[dreg:$0x5] =	wrdreg $0x9  }
0xb2: {  	_ =	task.clear_ibuf [dreg:s7], $0x6FFFF;
	_ =	strace $0x90000046  }
0xb3: {  	s29 =	simm.s32 $0x9;
	_ =	strace $0x80000048  }
0xb4: {  	_ =	swait.ge [sflag:s29], $0x1  }
0xb5: {  	[sflag:s29] =	ssyncadd.s32 $0xFFFFFFFF  }
0xb6: {  	_ =	strace $0x90000048  }
0xb7: {  	_ =	sfence  }
0xb8: {  	s30 =	sld [smem:$0x0];
	_ =	sdelay $0x2  }
0xb9: {  	s31 =	sshll.u32 s1, $0xD;
	s1 =	sshrl.u32 s1, $0x2  }
0xba: {  	s3 =	sand.u32 $0x4000, s31;
	s1 =	sadd.s32 s1, s30  }
0xbb: {  	s0 =	sor.u32 s3, s0;
	s1 =	sshll.u32 s1, $0x11  }
0xbc: {  	s0 =	sor.u32 s1, s0  }
0xbd: {  	s0 =	sadd.s32 $0x8F2B, s0  }
0xbe: {  	[sflag:s0] =	ssyncadd.remote.s32 $0x1  }
0xbf: {  	_ =	sfence.sel $0xFFFF  }
0xc0: {  	[dreg:$0x0] =	wrdreg $0xFFFFFFFF;
	(pc) =	sbr.abs _section_cstart, $3  }
0xc1: {  	[dreg:$0x1] =	wrdreg $0xFFFFFFFF  }
0xc2: {  	_ =	task.clear_ibuf [dreg:s7], $0x2FFFF;
	_ =	strace $0x9FFFFFFF  }
0xc3: {  	(tm) =	ssettm $0x7FFFFFFF  }
tec
execute0_lowered:
.L_overlay_start_1:
0x0: {  	(tag) =	ssettag $0x1  }
0x1: {  	s13 =	rddreg [dreg:$0x0]  }
0x2: {  	s0 =	rddreg [dreg:$0x1]  }
0x3: {  	s2 =	rddreg [dreg:$0x2];
	s3 =	simm.s32 $0x0;
	s14 =	stileid.u32  }
0x4: {  	s1 =	srdreg.scid;
	s28 =	simm.s32 $0x1;
	s29 =	simm.s32 $0x400  }
0x5: {  	s31 =	simm.s32 $0x4;
	[smem:$0x7FF] =	sst s3;
	s5 =	sadd.s32 $0xC5600, s0  }
0x6: {  	s6 =	sadd.s32 $0x63A00, s0;
	s4 =	smul.u32 $0x1880, s14;
	s1 =	sand.u32 $0x1, s1  }
0x7: {  	s8 =	sshll.u32 s14, $0x1;
	s7 =	sadd.s32 $0x1E00, s0;
	s9 =	smul.u32 $0x3100, s14  }
0x8: {  	s30 =	sshll.u32 s14, $0x6;
	s14 =	sadd.s32 $0x4E2, s13;
	s15 =	sadd.s32 $0x9C4, s13  }
0x9: {  	s16 =	sadd.s32 $0xEA6, s13;
	_ =	strace $0x80000047;
	[dreg:$0x13] =	wrdreg s14  }
0xa: {  	s8 =	sor.u32 s1, s8;
	s11 =	sshll.u32 s1, $0x7;
	[dreg:$0x14] =	wrdreg s15  }
0xb: {  	s1 =	ssub.s32 $0x2, s1;
	[dreg:$0x15] =	wrdreg s16;
	s15 =	simm.s32 $0x19F00  }
0xc: {  	s10 =	sshrl.u32 s4, $0x3;
	s8 =	smul.u32 $0x186A0, s8;
	s9 =	sor.u32 s11, s9  }
0xd: {  	s17 =	sshrl.u32 s1, $0x1;
	s4 =	sadd.s32 s4, s2;
	s10 =	sadd.s32 s10, s0  }
0xe: {  	s1 =	ssub.s32 s1, s17;
	[dreg:$0xd] =	wrdreg s4;
	s17 =	sadd.s32 $0x1388, s13  }
0xf: {  	s12 =	sshrl.u32 s8, $0x3;
	s11 =	sadd.s32 $0x127200, s10;
	[dreg:$0x16] =	wrdreg s17  }
0x10: {  	s14 =	simm.s32 $0xD;
	s21 =	sadd.s32 s5, s12;
	[dreg:$0xe] =	wrdreg s11  }
0x11: {  	s9 =	sshrl.u32 s9, $0x3;
	s22 =	sadd.s32 s6, s12;
	[dreg:$0x7] =	wrdreg s21  }
0x12: {  	s0 =	sadd.s32 s9, s0;
	s24 =	sadd.s32 s7, s12;
	[dreg:$0x8] =	wrdreg s22  }
0x13: {  	s18 =	sadd.s32 $0x3080, s12;
	s0 =	sadd.s32 $0x12A400, s0;
	[dreg:$0x9] =	wrdreg s24  }
0x14: {  	s23 =	sadd.s32 $0x80, s12;
	s12 =	smax.u32 s1, $0x1;
	[dreg:$0x11] =	wrdreg s0  }
0x15: {  	s11 =	sor.u32 $0x1C0D, s30;
	s30 =	sadd.s32 $0x2BF2, s13;
	[dreg:$0x12] =	wrdreg s12  }
0x16: {  	s17 =	simm.s32 $0x3;
	s10 =	simm.s32 $0x5;
	[dreg:$0x1b] =	wrdreg s30  }
0x17: {  	s1 =	simm.s32 $0x2;
	s19 =	sadd.s32 s5, s18;
	[dreg:$0xf] =	wrdreg s11  }
0x18: {  	s20 =	sadd.s32 s6, s18;
	s9 =	sadd.s32 s7, s18;
	[dreg:$0x4] =	wrdreg s19  }
0x19: {  	s25 =	sadd.s32 s5, s23;
	s26 =	sadd.s32 s6, s23;
	[dreg:$0x5] =	wrdreg s20  }
0x1a: {  	s21 =	sadd.s32 $0xC00, s8;
	s22 =	sadd.s32 $0x1000, s8;
	[dreg:$0x6] =	wrdreg s9  }
0x1b: {  	s24 =	sadd.s32 $0x1800, s8;
	s18 =	sadd.s32 $0x186A, s13;
	[dreg:$0xa] =	wrdreg s25  }
0x1c: {  	s12 =	simm.s32 $0x19B00;
	s0 =	simm.s32 $0x1A700;
	[dreg:$0xb] =	wrdreg s26  }
0x1d: {  	s9 =	sadd.s32 s7, s23;
	s20 =	sadd.s32 $0x800, s8;
	[dreg:$0x17] =	wrdreg s18  }
0x1e: {  	s23 =	sadd.s32 $0x1400, s8;
	s19 =	sadd.s32 $0x1D4C, s13;
	[dreg:$0xc] =	wrdreg s9  }
0x1f: {  	s25 =	sadd.s32 $0x222E, s13;
	s26 =	sadd.s32 $0x2710, s13;
	[dreg:$0x18] =	wrdreg s19  }
0x20: {  	s13 =	simm.s32 $0x1DA00;
	s8 =	simm.s32 $0x0;
	[dreg:$0x19] =	wrdreg s25  }
0x21: {  	[dreg:$0x1a] =	wrdreg s26;
	s25 =	simm.s32 $0x1A300;
	s19 =	simm.s32 $0x1AB00  }
0x22: {  	s26 =	simm.s32 $0x6;
	s9 =	simm.s32 $0x7;
	[dreg:$0x10] =	wrdreg s20  }
.LBB2_1:
0x23: {  	[dreg:$0x1c] =	wrdreg s8  }
0x24: {  	s4 =	rddreg [dreg:$0x0]  }
0x25: {  	s8 =	rddreg [dreg:$0x13]  }
0x26: {  	[tilespmem:s3], [sflag:$0xC] =	stream.linear.gather [hbm4b:s4+s3], $0x2710, $0x38;
	[tilespmem:$0x1FB80] =	vst v63  }
0x27: {  	s16 =	simm.s32 $0x2710;
	s18 =	rddreg [dreg:$0x14]  }
0x28: {  	[tilespmem:s16], [sflag:$0xC] =	stream.linear.gather [hbm4b:s8+s3], $0x2710, $0x38;
	[tilespmem:$0x1FB80] =	vst v63  }
0x29: {  	s30 =	simm.s32 $0x4E20;
	s8 =	rddreg [dreg:$0x15]  }
0x2a: {  	[tilespmem:s30], [sflag:$0xC] =	stream.linear.gather [hbm4b:s18+s3], $0x2710, $0x38;
	[tilespmem:$0x1FB80] =	vst v63  }
0x2b: {  	s16 =	simm.s32 $0x7530;
	s18 =	rddreg [dreg:$0x16]  }
0x2c: {  	[tilespmem:s16], [sflag:$0xC] =	stream.linear.gather [hbm4b:s8+s3], $0x2710, $0x38;
	[tilespmem:$0x1FB80] =	vst v63  }
0x2d: {  	s30 =	simm.s32 $0x9C40;
	s8 =	rddreg [dreg:$0x17]  }
0x2e: {  	[tilespmem:s30], [sflag:$0xC] =	stream.linear.gather [hbm4b:s18+s3], $0x2710, $0x38;
	[tilespmem:$0x1FB80] =	vst v63  }
0x2f: {  	s16 =	simm.s32 $0xC350;
	s18 =	rddreg [dreg:$0x18]  }
0x30: {  	[tilespmem:s16], [sflag:$0xC] =	stream.linear.gather [hbm4b:s8+s3], $0x2710, $0x38;
	[tilespmem:$0x1FB80] =	vst v63  }
0x31: {  	s30 =	simm.s32 $0xEA60;
	s8 =	rddreg [dreg:$0x19]  }
0x32: {  	[tilespmem:s30], [sflag:$0xC] =	stream.linear.gather [hbm4b:s18+s3], $0x2710, $0x38;
	[tilespmem:$0x1FB80] =	vst v63  }
0x33: {  	s16 =	simm.s32 $0x11170;
	s18 =	rddreg [dreg:$0x1a]  }
0x34: {  	[tilespmem:s16], [sflag:$0xC] =	stream.linear.gather [hbm4b:s8+s3], $0x2710, $0x38;
	[tilespmem:$0x1FB80] =	vst v63  }
0x35: {  	s30 =	simm.s32 $0x13880;
	s8 =	rddreg [dreg:$0x1b]  }
0x36: {  	[tilespmem:s30], [sflag:$0xC] =	stream.linear.gather [hbm4b:s18+s3], $0x2710, $0x38;
	[tilespmem:$0x1FB80] =	vst v63  }
0x37: {  	s16 =	simm.s32 $0x15F90;
	s18 =	rddreg [dreg:$0x4]  }
0x38: {  	[tilespmem:s16], [sflag:$0xC] =	stream.linear.gather [hbm4b:s8+s3], $0x2710, $0x38;
	[tilespmem:$0x1FB80] =	vst v63  }
0x39: {  	s30 =	simm.s32 $0x1D700;
	s16 =	rddreg [dreg:$0x5]  }
0x3a: {  	[tilespmem:s30], [sflag:$0xB] =	stream.linear.gather [hbm4b:s18+s3], $0x2A0, $0x38;
	[tilespmem:$0x1FB80] =	vst v63  }
0x3b: {  	s8 =	rddreg [dreg:$0x7]  }
0x3c: {  	[tilespmem:s13], [sflag:$0xB] =	stream.linear.gather [hbm4b:s16+s3], $0x2A0, $0x38;
	[tilespmem:$0x1FB80] =	vst v63  }
0x3d: {  	s18 =	rddreg [dreg:$0x6];
	s30 =	simm.s32 $0x1DD00  }
0x3e: {  	[tilespmem:s30], [sflag:$0xB] =	stream.linear.gather [hbm4b:s18+s3], $0x2A0, $0x38;
	[tilespmem:$0x1FB80] =	vst v63  }
0x3f: {  	s13 =	simm.s32 $0x18700;
	s16 =	rddreg [dreg:$0x8]  }
0x40: {  	[tilespmem:s13], [sflag:$0x1] =	stream.linear.gather [hbm4b:s8+s3], $0x400, $0x38;
	[tilespmem:$0x1FB80] =	vst v63  }
0x41: {  	s18 =	rddreg [dreg:$0x9]  }
0x42: {  	[tilespmem:s12], [sflag:$0x1] =	stream.linear.gather [hbm4b:s16+s3], $0x400, $0x38;
	[tilespmem:$0x1FB80] =	vst v63  }
0x43: {  	s30 =	simm.s32 $0x1AF00;
	s8 =	rddreg [dreg:$0xa]  }
0x44: {  	[tilespmem:s30], [sflag:$0x1] =	stream.linear.gather [hbm4b:s18+s3], $0x400, $0x38;
	[tilespmem:$0x1FB80] =	vst v63  }
0x45: {  	s13 =	simm.s32 $0x18B00;
	s16 =	rddreg [dreg:$0xb]  }
0x46: {  	[tilespmem:s13], [sflag:$0x2] =	stream.linear.gather [hbm4b:s8+s3], $0x400, $0x38;
	[tilespmem:$0x1FB80] =	vst v63  }
0x47: {  	s13 =	rddreg [dreg:$0xd]  }
0x48: {  	[tilespmem:s15], [sflag:$0x2] =	stream.linear.gather [hbm4b:s16+s3], $0x400, $0x38;
	[tilespmem:$0x1FB80] =	vst v63  }
0x49: {  	s18 =	rddreg [dreg:$0xc];
	s16 =	sshrl.u32 s13, $0x3  }
0x4a: {  	s30 =	simm.s32 $0x1B300;
	[dreg:$0x1d] =	wrdreg s16  }
0x4b: {  	[tilespmem:s30], [sflag:$0x2] =	stream.linear.gather [hbm4b:s18+s3], $0x400, $0x38;
	[tilespmem:$0x1FB80] =	vst v63  }
0x4c: {  	s18 =	rddreg [dreg:$0xe]  }
0x4d: {  	[spmem:s16], [sflag:s11] =	dma.local [hbm:s18], $0x310  }
0x4e: {  	_ =	swait.ge [sflag:s14], $0x310  }
0x4f: {  	[sflag:s14] =	ssyncset.done $0x0  }
0x50: {  	s30 =	simm.s32 $0xC;
	[sflag:s14] =	ssyncadd.s32 $0xFFFFFCF0  }
0x51: {  	_ =	swait.ge [sflag:s30], $0x2710  }
0x52: {  	[sflag:s30] =	ssyncset.done $0x0  }
0x53: {  	[sflag:s30] =	ssyncadd.s32 $0xFFFFD8F0  }
0x54: {  	_ =	swait.ge [sflag:s30], $0x2710  }
0x55: {  	[sflag:s30] =	ssyncset.done $0x0  }
0x56: {  	[sflag:s30] =	ssyncadd.s32 $0xFFFFD8F0  }
0x57: {  	_ =	swait.ge [sflag:s30], $0x2710  }
0x58: {  	[sflag:s30] =	ssyncset.done $0x0  }
0x59: {  	[sflag:s30] =	ssyncadd.s32 $0xFFFFD8F0  }
0x5a: {  	_ =	swait.ge [sflag:s30], $0x2710  }
0x5b: {  	[sflag:s30] =	ssyncset.done $0x0  }
0x5c: {  	[sflag:s30] =	ssyncadd.s32 $0xFFFFD8F0  }
0x5d: {  	_ =	swait.ge [sflag:s30], $0x2710  }
0x5e: {  	[sflag:s30] =	ssyncset.done $0x0  }
0x5f: {  	[sflag:s30] =	ssyncadd.s32 $0xFFFFD8F0  }
0x60: {  	_ =	swait.ge [sflag:s30], $0x2710  }
0x61: {  	[sflag:s30] =	ssyncset.done $0x0  }
0x62: {  	[sflag:s30] =	ssyncadd.s32 $0xFFFFD8F0  }
0x63: {  	_ =	swait.ge [sflag:s30], $0x2710  }
0x64: {  	[sflag:s30] =	ssyncset.done $0x0  }
0x65: {  	[sflag:s30] =	ssyncadd.s32 $0xFFFFD8F0  }
0x66: {  	_ =	swait.ge [sflag:s30], $0x2710  }
0x67: {  	[sflag:s30] =	ssyncset.done $0x0  }
0x68: {  	[sflag:s30] =	ssyncadd.s32 $0xFFFFD8F0  }
0x69: {  	_ =	swait.ge [sflag:s30], $0x2710  }
0x6a: {  	[sflag:s30] =	ssyncset.done $0x0  }
0x6b: {  	[sflag:s30] =	ssyncadd.s32 $0xFFFFD8F0  }
0x6c: {  	_ =	swait.ge [sflag:s30], $0x2710  }
0x6d: {  	[sflag:s30] =	ssyncset.done $0x0  }
0x6e: {  	[sflag:s30] =	ssyncadd.s32 $0xFFFFD8F0  }
0x6f: {  	s4 =	simm.s32 $0x0;
	[bflag:$0x0] =	sbarrier.arrive $0xFFFF  }
.LBB2_2:
0x70: {  	p0 =	seq.s32 s4, $0x0;
	s18 =	smul.u32 $0x1400, s4  }
0x71: {  	s8 =	simm.s32 @!p0 $0x8  }
0x72: {  	_ =	swait.ge @!p0 [sflag:s8], $0x400;
	s11 =	sadd.s32 s18, s20  }
0x73: {  	[sflag:s8] =	ssyncset.done @!p0 $0x0;
	s11 =	sshrl.u32 s11, $0x3  }
0x74: {  	s13 =	simm.s32 $0x18F00;
	[sflag:s8] =	ssyncadd.s32 @!p0 $0xFFFFFC00;
	s14 =	sadd.s32 s5, s11  }
0x75: {  	[tilespmem:s13], [sflag:$0x3] =	stream.linear.gather [hbm4b:s14+s3], $0x400, $0x38;
	[tilespmem:$0x1FB80] =	vst v63  }
0x76: {  	s16 =	sadd.s32 s6, s11  }
0x77: {  	[tilespmem:s25], [sflag:$0x3] =	stream.linear.gather [hbm4b:s16+s3], $0x400, $0x38;
	[tilespmem:$0x1FB80] =	vst v63  }
0x78: {  	s13 =	sadd.s32 s7, s11;
	s14 =	simm.s32 $0x1B700  }
0x79: {  	[tilespmem:s14], [sflag:$0x3] =	stream.linear.gather [hbm4b:s13+s3], $0x400, $0x38;
	[tilespmem:$0x1FB80] =	vst v63  }
0x7a: {  	_ =	swait.ge [sflag:s28], $0x400  }
0x7b: {  	[sflag:s28] =	ssyncset.done $0x0  }
0x7c: {  	[sflag:s28] =	ssyncadd.s32 $0xFFFFFC00  }
0x7d: {  	_ =	swait.ge [sflag:s28], $0x400  }
0x7e: {  	[sflag:s28] =	ssyncset.done $0x0  }
0x7f: {  	[sflag:s28] =	ssyncadd.s32 $0xFFFFFC00  }
0x80: {  	_ =	swait.ge [sflag:s28], $0x400  }
0x81: {  	[sflag:s28] =	ssyncset.done $0x0  }
0x82: {  	s8 =	simm.s32 $0x18720;
	[sflag:s28] =	ssyncadd.s32 $0xFFFFFC00  }
0x83: {  	s16 =	simm.s32 $0x19B20;
	v1 =	vld [tilespmem:s8+$0x10]  }
0x84: {  	s14 =	simm.s32 $0x1AF20;
	v2 =	vld [tilespmem:s16+$0x10]  }
0x85: {  	v8 =	vld [tilespmem:s14+$0x10]  }
0x86: {  	v0 =	vld [tilespmem:s14+$0xFFFFFFE0]  }
0x87: {  	v10 =	vld [tilespmem:s14+$0xFFFFFFF0]  }
0x88: {  	v12 =	vld [tilespmem:s14+$0x0]  }
0x89: {  	v3 =	vld [tilespmem:s16+$0xFFFFFFE0]  }
0x8a: {  	v4 =	vld [tilespmem:s8+$0xFFFFFFF0]  }
0x8b: {  	v5 =	vld [tilespmem:s16+$0xFFFFFFF0]  }
0x8c: {  	v6 =	vld [tilespmem:s8+$0x0]  }
0x8d: {  	v13 =	vld [tilespmem:s16+$0x0]  }
0x8e: {  	s11 =	simm.s32 $0x19B60;
	v14 =	vld [tilespmem:s8+$0xFFFFFFE0]  }
0x8f: {  	s13 =	simm.s32 $0x1AF60;
	v7 =	vld [tilespmem:s11+$0x10]  }
0x90: {  	v17 =	vld [tilespmem:s13+$0x10]  }
0x91: {  	v9 =	vld.idx.msk [tilespmem:v1+s3+$0x0], $0xffff  }
0x92: {  	v11 =	vld.idx.msk [tilespmem:v2+s3+$0x0], $0xffff  }
0x93: {  	v2 =	vld.idx.msk [tilespmem:v3+s3+$0x0], $0xffff  }
0x94: {  	v15 =	vld.idx.msk [tilespmem:v4+s3+$0x0], $0xffff  }
0x95: {  	v16 =	vld.idx.msk [tilespmem:v5+s3+$0x0], $0xffff  }
0x96: {  	s16 =	simm.s32 $0x18760;
	v3 =	vld.idx.msk [tilespmem:v6+s3+$0x0], $0xffff  }
0x97: {  	(erf) = vrcp.f32 v8;
	v6 =	vld [tilespmem:s16+$0x10]  }
0x98: {  	(erf) = vrcp.f32 v0;
	v4 =	vld [tilespmem:s13+$0xFFFFFFE0]  }
0x99: {  	(erf) = vrcp.f32 v10;
	v5 =	vld [tilespmem:s13+$0xFFFFFFF0]  }
0x9a: {  	v1 =	vld [tilespmem:s13+$0x0]  }
0x9b: {  	v18 =	vld [tilespmem:s11+$0xFFFFFFE0];
	(erf) = vrcp.f32 v12  }
0x9c: {  	v19 =	vld [tilespmem:s16+$0xFFFFFFF0];
	(erf) = vrcp.f32 v17  }
0x9d: {  	v23 =	vld [tilespmem:s16+$0x0];
	(erf) = vrcp.f32 v4  }
0x9e: {  	v21 =	vld.idx.msk [tilespmem:v7+s3+$0x0], $0xffff;
	(erf) = vrcp.f32 v5  }
0x9f: {  	(erf) = vrcp.f32 v1;
	v20 =	vld.idx.msk [tilespmem:v6+s3+$0x0], $0xffff  }
0xa0: {  	v22 =	vld [tilespmem:s11+$0xFFFFFFF0];
	v24 =	vpop (erf)  }
0xa1: {  	v7 =	vld [tilespmem:s11+$0x0];
	v11 =	vsub.f32 v11, v9;
	v10 =	vmul.f32 v15, v10;
	v15 =	vsub.f32 v16, v15;
	v6 =	vpop (erf)  }
0xa2: {  	v14 =	vld.idx.msk [tilespmem:v14+s3+$0x0], $0xffff;
	v25 =	vmul.f32 v9, v8;
	v26 =	vpop (erf)  }
0xa3: {  	v9 =	vld [tilespmem:s16+$0xFFFFFFE0];
	v16 =	vmul.f32 v11, v24;
	v15 =	vmul.f32 v15, v26  }
0xa4: {  	vm0 =	vgt.f32 v25, $0.0e+00;
	v11 =	vld.idx.msk [tilespmem:v18+s3+$0x0], $0xffff;
	vm1 =	vgt.f32 v10, $0.0e+00;
	v8 =	vpop (erf);
	v18 =	vsub.f32 v21, v20  }
0xa5: {  	s14 =	simm.s32 $0x1C320;
	v10 =	vld.idx.msk [tilespmem:v19+s3+$0x0], $0xffff;
	v16 =	vnsel vm0, $0x0, v16;
	v15 =	vnsel vm1, $0x0, v15;
	v19 =	vmul.f32 v20, v17;
	v17 =	vpop (erf)  }
0xa6: {  	[tilespmem:s14+$0x10] =	vst v16;
	v16 =	vld.idx.msk [tilespmem:v23+s3+$0x0], $0xffff;
	v20 =	vmul.f32 v3, v12;
	v12 =	vpop (erf);
	v21 =	vmul.f32 v18, v17  }
0xa7: {  	v18 =	vld.idx.msk [tilespmem:v13+s3+$0x0], $0xffff;
	vm1 =	vgt.f32 v19, $0.0e+00;
	v13 =	vpop (erf)  }
0xa8: {  	s30 =	simm.s32 $0x40;
	s8 =	simm.s32 $0x187A0;
	s16 =	simm.s32 $0x1C360;
	[tilespmem:s14+$0xFFFFFFF0] =	vst v15;
	v17 =	vld.idx.msk [tilespmem:v22+s3+$0x0], $0xffff;
	vm0 =	vgt.f32 v20, $0.0e+00;
	v15 =	vpop (erf);
	v19 =	vnsel vm1, $0x0, v21  }
.LBB2_3:
0xa9: {  	v20 =	vld [tilespmem:s8+$0x10];
	[tilespmem:s16+$0x10] =	vst v19;
	s11 =	sadd.s32 $0x40, s11;
	v19 =	vmul.f32 v14, v0;
	v14 =	vsub.f32 v2, v14;
	v0 =	vmov v4  }
0xaa: {  	s30 =	sadd.s32 $0x40, s30;
	s13 =	sadd.s32 $0x40, s13;
	v2 =	vmov v11;
	v21 =	vld [tilespmem:s11+$0x10]  }
0xab: {  	p1 =	slt.u32 s30, $0x3C0;
	v11 =	vmul.f32 v10, v5;
	v22 =	vld [tilespmem:s13+$0x10];
	vm1 =	vgt.f32 v19, $0.0e+00;
	v14 =	vmul.f32 v14, v6;
	v6 =	vmovc v12  }
0xac: {  	v18 =	vsub.f32 v18, v3;
	v4 =	vld [tilespmem:s13+$0xFFFFFFE0]  }
0xad: {  	vm2 =	vgt.f32 v11, $0.0e+00;
	v10 =	vsub.f32 v17, v10;
	v5 =	vld [tilespmem:s13+$0xFFFFFFF0];
	v11 =	vnsel vm1, $0x0, v14  }
0xae: {  	v12 =	vmul.f32 v16, v1;
	v3 =	vmovc v16;
	v1 =	vld [tilespmem:s13+$0x0];
	[tilespmem:s14+$0xFFFFFFE0] =	vst v11;
	v11 =	vmul.f32 v18, v8;
	v8 =	vmov v15  }
0xaf: {  	v10 =	vmul.f32 v10, v13;
	v15 =	vld [tilespmem:s11+$0xFFFFFFE0]  }
0xb0: {  	v13 =	vld [tilespmem:s8+$0xFFFFFFF0];
	(erf) = vrcp.f32 v22;
	v11 =	vnsel vm0, $0x0, v11;
	vm0 =	vgt.f32 v12, $0.0e+00  }
0xb1: {  	v10 =	vnsel vm2, $0x0, v10;
	v12 =	vld.idx.msk [tilespmem:v20+s3+$0x0], $0xffff;
	(erf) = vrcp.f32 v4;
	[tilespmem:s14+$0x0] =	vst v11;
	s14 =	smov.u32 s16  }
0xb2: {  	v16 =	vld.idx.msk [tilespmem:v21+s3+$0x0], $0xffff;
	(erf) = vrcp.f32 v5;
	[tilespmem:s16+$0xFFFFFFF0] =	vst v10  }
0xb3: {  	v17 =	vld [tilespmem:s11+$0xFFFFFFF0];
	(erf) = vrcp.f32 v1  }
0xb4: {  	v19 =	vld [tilespmem:s8+$0x0]  }
0xb5: {  	v20 =	vld [tilespmem:s11+$0x0]  }
0xb6: {  	v21 =	vld [tilespmem:s8+$0xFFFFFFE0]  }
0xb7: {  	v14 =	vld.idx.msk [tilespmem:v9+s3+$0x0], $0xffff  }
.Ltmp0:
0xb8: {  	v23 =	vsub.f32 v16, v12;
	v11 =	vld.idx.msk [tilespmem:v15+s3+$0x0], $0xffff;
	(pc) =	sbr.rel @p1 .LBB2_3-.Ltmp0, $4  }
0xb9: {  	v16 =	vmul.f32 v12, v22;
	v10 =	vld.idx.msk [tilespmem:v13+s3+$0x0], $0xffff;
	v12 =	vpop (erf)  }
0xba: {  	v22 =	vmul.f32 v23, v12;
	v12 =	vpop (erf);
	v18 =	vld.idx.msk [tilespmem:v7+s3+$0x0], $0xffff;
	v7 =	vmov v20  }
0xbb: {  	vm1 =	vgt.f32 v16, $0.0e+00;
	v17 =	vld.idx.msk [tilespmem:v17+s3+$0x0], $0xffff;
	v13 =	vpop (erf);
	v9 =	vmov v21  }
0xbc: {  	s16 =	sadd.s32 $0x40, s16;
	s8 =	sadd.s32 $0x40, s8;
	v16 =	vld.idx.msk [tilespmem:v19+s3+$0x0], $0xffff;
	v19 =	vnsel vm1, $0x0, v22;
	v15 =	vpop (erf)  }
0xbd: {  	_ =	sdelay $0x3  }
0xbe: {  	v9 =	vld.idx.msk [tilespmem:v9+s3+$0x0], $0xffff  }
0xbf: {  	v2 =	vsub.f32 v2, v14;
	v7 =	vld.idx.msk [tilespmem:v7+s3+$0x0], $0xffff  }
0xc0: {  	v0 =	vmul.f32 v14, v0;
	v5 =	vmul.f32 v10, v5  }
0xc1: {  	v2 =	vmul.f32 v2, v6;
	v3 =	vsub.f32 v18, v3  }
0xc2: {  	vm1 =	vgt.f32 v0, $0.0e+00;
	vm2 =	vgt.f32 v5, $0.0e+00;
	v0 =	vsub.f32 v17, v10  }
0xc3: {  	v2 =	vnsel vm1, $0x0, v2;
	v3 =	vmul.f32 v3, v8;
	v5 =	vsub.f32 v11, v9  }
0xc4: {  	[tilespmem:s16+$0x10] =	vst v19;
	v0 =	vmul.f32 v0, v13;
	v4 =	vmul.f32 v9, v4;
	v6 =	vsub.f32 v7, v16  }
0xc5: {  	v1 =	vmul.f32 v16, v1;
	[tilespmem:s14+$0xFFFFFFE0] =	vst v2;
	v2 =	vnsel vm0, $0x0, v3;
	v3 =	vmul.f32 v5, v12  }
0xc6: {  	v0 =	vnsel vm2, $0x0, v0;
	[tilespmem:s14+$0x0] =	vst v2;
	vm0 =	vgt.f32 v4, $0.0e+00;
	v2 =	vmul.f32 v6, v15  }
0xc7: {  	vm1 =	vgt.f32 v1, $0.0e+00;
	[tilespmem:s16+$0xFFFFFFF0] =	vst v0;
	v0 =	vnsel vm0, $0x0, v3  }
0xc8: {  	[tilespmem:s16+$0xFFFFFFE0] =	vst v0;
	v0 =	vnsel vm1, $0x0, v2  }
0xc9: {  	s8 =	simm.s32 $0x1C300;
	[tilespmem:s16+$0x0] =	vst v0  }
0xca: {  	[spmem:s2] =	stream.indirect.scatter.add.f32 [tilespmem:s8], [sflag:$0x6], $0x1, s12, s29, $0xb8;
	[tilespmem:$0x1FB80] =	vst v63  }
0xcb: {  	s8 =	simm.s32 @!p0 $0x9  }
0xcc: {  	s11 =	sadd.s32 s18, s21;
	_ =	swait.ge @!p0 [sflag:s8], $0x400  }
0xcd: {  	s11 =	sshrl.u32 s11, $0x3;
	[sflag:s8] =	ssyncset.done @!p0 $0x0  }
0xce: {  	s13 =	simm.s32 $0x19300;
	s14 =	sadd.s32 s5, s11;
	[sflag:s8] =	ssyncadd.s32 @!p0 $0xFFFFFC00  }
0xcf: {  	[tilespmem:s13], [sflag:$0x4] =	stream.linear.gather [hbm4b:s14+s3], $0x400, $0x38;
	[tilespmem:$0x1FB80] =	vst v63  }
0xd0: {  	s16 =	sadd.s32 s6, s11  }
0xd1: {  	[tilespmem:s0], [sflag:$0x4] =	stream.linear.gather [hbm4b:s16+s3], $0x400, $0x38;
	[tilespmem:$0x1FB80] =	vst v63  }
0xd2: {  	s13 =	sadd.s32 s7, s11;
	s14 =	simm.s32 $0x1BB00  }
0xd3: {  	[tilespmem:s14], [sflag:$0x4] =	stream.linear.gather [hbm4b:s13+s3], $0x400, $0x38;
	[tilespmem:$0x1FB80] =	vst v63  }
0xd4: {  	_ =	swait.ge [sflag:s1], $0x400  }
0xd5: {  	[sflag:s1] =	ssyncset.done $0x0  }
0xd6: {  	[sflag:s1] =	ssyncadd.s32 $0xFFFFFC00  }
0xd7: {  	_ =	swait.ge [sflag:s1], $0x400  }
0xd8: {  	[sflag:s1] =	ssyncset.done $0x0  }
0xd9: {  	[sflag:s1] =	ssyncadd.s32 $0xFFFFFC00  }
0xda: {  	_ =	swait.ge [sflag:s1], $0x400  }
0xdb: {  	[sflag:s1] =	ssyncset.done $0x0  }
0xdc: {  	s8 =	simm.s32 $0x18B20;
	[sflag:s1] =	ssyncadd.s32 $0xFFFFFC00  }
0xdd: {  	s16 =	simm.s32 $0x19F20;
	v1 =	vld [tilespmem:s8+$0x10]  }
0xde: {  	s14 =	simm.s32 $0x1B320;
	v2 =	vld [tilespmem:s16+$0x10]  }
0xdf: {  	v8 =	vld [tilespmem:s14+$0x10]  }
0xe0: {  	v0 =	vld [tilespmem:s14+$0xFFFFFFE0]  }
0xe1: {  	v10 =	vld [tilespmem:s14+$0xFFFFFFF0]  }
0xe2: {  	v12 =	vld [tilespmem:s14+$0x0]  }
0xe3: {  	v3 =	vld [tilespmem:s16+$0xFFFFFFE0]  }
0xe4: {  	v4 =	vld [tilespmem:s8+$0xFFFFFFF0]  }
0xe5: {  	v5 =	vld [tilespmem:s16+$0xFFFFFFF0]  }
0xe6: {  	v6 =	vld [tilespmem:s8+$0x0]  }
0xe7: {  	v13 =	vld [tilespmem:s16+$0x0]  }
0xe8: {  	s11 =	simm.s32 $0x19F60;
	v14 =	vld [tilespmem:s8+$0xFFFFFFE0]  }
0xe9: {  	s13 =	simm.s32 $0x1B360;
	v7 =	vld [tilespmem:s11+$0x10]  }
0xea: {  	v17 =	vld [tilespmem:s13+$0x10]  }
0xeb: {  	v9 =	vld.idx.msk [tilespmem:v1+s3+$0x0], $0xffff  }
0xec: {  	v11 =	vld.idx.msk [tilespmem:v2+s3+$0x0], $0xffff  }
0xed: {  	v2 =	vld.idx.msk [tilespmem:v3+s3+$0x0], $0xffff  }
0xee: {  	v15 =	vld.idx.msk [tilespmem:v4+s3+$0x0], $0xffff  }
0xef: {  	v16 =	vld.idx.msk [tilespmem:v5+s3+$0x0], $0xffff  }
0xf0: {  	s16 =	simm.s32 $0x18B60;
	v3 =	vld.idx.msk [tilespmem:v6+s3+$0x0], $0xffff  }
0xf1: {  	(erf) = vrcp.f32 v8;
	v6 =	vld [tilespmem:s16+$0x10]  }
0xf2: {  	(erf) = vrcp.f32 v0;
	v4 =	vld [tilespmem:s13+$0xFFFFFFE0]  }
0xf3: {  	(erf) = vrcp.f32 v10;
	v5 =	vld [tilespmem:s13+$0xFFFFFFF0]  }
0xf4: {  	v1 =	vld [tilespmem:s13+$0x0]  }
0xf5: {  	v18 =	vld [tilespmem:s11+$0xFFFFFFE0];
	(erf) = vrcp.f32 v12  }
0xf6: {  	v19 =	vld [tilespmem:s16+$0xFFFFFFF0];
	(erf) = vrcp.f32 v17  }
0xf7: {  	v23 =	vld [tilespmem:s16+$0x0];
	(erf) = vrcp.f32 v4  }
0xf8: {  	v21 =	vld.idx.msk [tilespmem:v7+s3+$0x0], $0xffff;
	(erf) = vrcp.f32 v5  }
0xf9: {  	(erf) = vrcp.f32 v1;
	v20 =	vld.idx.msk [tilespmem:v6+s3+$0x0], $0xffff  }
0xfa: {  	v22 =	vld [tilespmem:s11+$0xFFFFFFF0];
	v24 =	vpop (erf)  }
0xfb: {  	v7 =	vld [tilespmem:s11+$0x0];
	v11 =	vsub.f32 v11, v9;
	v10 =	vmul.f32 v15, v10;
	v15 =	vsub.f32 v16, v15;
	v6 =	vpop (erf)  }
0xfc: {  	v14 =	vld.idx.msk [tilespmem:v14+s3+$0x0], $0xffff;
	v25 =	vmul.f32 v9, v8;
	v26 =	vpop (erf)  }
0xfd: {  	v9 =	vld [tilespmem:s16+$0xFFFFFFE0];
	v16 =	vmul.f32 v11, v24;
	v15 =	vmul.f32 v15, v26  }
0xfe: {  	vm0 =	vgt.f32 v25, $0.0e+00;
	v11 =	vld.idx.msk [tilespmem:v18+s3+$0x0], $0xffff;
	vm1 =	vgt.f32 v10, $0.0e+00;
	v8 =	vpop (erf);
	v18 =	vsub.f32 v21, v20  }
0xff: {  	s14 =	simm.s32 $0x1C720;
	v10 =	vld.idx.msk [tilespmem:v19+s3+$0x0], $0xffff;
	v16 =	vnsel vm0, $0x0, v16;
	v15 =	vnsel vm1, $0x0, v15;
	v19 =	vmul.f32 v20, v17;
	v17 =	vpop (erf)  }
0x100: {  	[tilespmem:s14+$0x10] =	vst v16;
	v16 =	vld.idx.msk [tilespmem:v23+s3+$0x0], $0xffff;
	v20 =	vmul.f32 v3, v12;
	v12 =	vpop (erf);
	v21 =	vmul.f32 v18, v17  }
0x101: {  	v18 =	vld.idx.msk [tilespmem:v13+s3+$0x0], $0xffff;
	vm1 =	vgt.f32 v19, $0.0e+00;
	v13 =	vpop (erf)  }
0x102: {  	s30 =	simm.s32 $0x40;
	s8 =	simm.s32 $0x18BA0;
	s16 =	simm.s32 $0x1C760;
	[tilespmem:s14+$0xFFFFFFF0] =	vst v15;
	v17 =	vld.idx.msk [tilespmem:v22+s3+$0x0], $0xffff;
	vm0 =	vgt.f32 v20, $0.0e+00;
	v15 =	vpop (erf);
	v19 =	vnsel vm1, $0x0, v21  }
.LBB2_5:
0x103: {  	v20 =	vld [tilespmem:s8+$0x10];
	[tilespmem:s16+$0x10] =	vst v19;
	s11 =	sadd.s32 $0x40, s11;
	v19 =	vmul.f32 v14, v0;
	v14 =	vsub.f32 v2, v14;
	v0 =	vmov v4  }
0x104: {  	s30 =	sadd.s32 $0x40, s30;
	s13 =	sadd.s32 $0x40, s13;
	v2 =	vmov v11;
	v21 =	vld [tilespmem:s11+$0x10]  }
0x105: {  	p1 =	slt.u32 s30, $0x3C0;
	v11 =	vmul.f32 v10, v5;
	v22 =	vld [tilespmem:s13+$0x10];
	vm1 =	vgt.f32 v19, $0.0e+00;
	v14 =	vmul.f32 v14, v6;
	v6 =	vmovc v12  }
0x106: {  	v18 =	vsub.f32 v18, v3;
	v4 =	vld [tilespmem:s13+$0xFFFFFFE0]  }
0x107: {  	vm2 =	vgt.f32 v11, $0.0e+00;
	v10 =	vsub.f32 v17, v10;
	v5 =	vld [tilespmem:s13+$0xFFFFFFF0];
	v11 =	vnsel vm1, $0x0, v14  }
0x108: {  	v12 =	vmul.f32 v16, v1;
	v3 =	vmovc v16;
	v1 =	vld [tilespmem:s13+$0x0];
	[tilespmem:s14+$0xFFFFFFE0] =	vst v11;
	v11 =	vmul.f32 v18, v8;
	v8 =	vmov v15  }
0x109: {  	v10 =	vmul.f32 v10, v13;
	v15 =	vld [tilespmem:s11+$0xFFFFFFE0]  }
0x10a: {  	v13 =	vld [tilespmem:s8+$0xFFFFFFF0];
	(erf) = vrcp.f32 v22;
	v11 =	vnsel vm0, $0x0, v11;
	vm0 =	vgt.f32 v12, $0.0e+00  }
0x10b: {  	v10 =	vnsel vm2, $0x0, v10;
	v12 =	vld.idx.msk [tilespmem:v20+s3+$0x0], $0xffff;
	(erf) = vrcp.f32 v4;
	[tilespmem:s14+$0x0] =	vst v11;
	s14 =	smov.u32 s16  }
0x10c: {  	v16 =	vld.idx.msk [tilespmem:v21+s3+$0x0], $0xffff;
	(erf) = vrcp.f32 v5;
	[tilespmem:s16+$0xFFFFFFF0] =	vst v10  }
0x10d: {  	v17 =	vld [tilespmem:s11+$0xFFFFFFF0];
	(erf) = vrcp.f32 v1  }
0x10e: {  	v19 =	vld [tilespmem:s8+$0x0]  }
0x10f: {  	v20 =	vld [tilespmem:s11+$0x0]  }
0x110: {  	v21 =	vld [tilespmem:s8+$0xFFFFFFE0]  }
0x111: {  	v14 =	vld.idx.msk [tilespmem:v9+s3+$0x0], $0xffff  }
.Ltmp1:
0x112: {  	v23 =	vsub.f32 v16, v12;
	v11 =	vld.idx.msk [tilespmem:v15+s3+$0x0], $0xffff;
	(pc) =	sbr.rel @p1 .LBB2_5-.Ltmp1, $4  }
0x113: {  	v16 =	vmul.f32 v12, v22;
	v10 =	vld.idx.msk [tilespmem:v13+s3+$0x0], $0xffff;
	v12 =	vpop (erf)  }
0x114: {  	v22 =	vmul.f32 v23, v12;
	v12 =	vpop (erf);
	v18 =	vld.idx.msk [tilespmem:v7+s3+$0x0], $0xffff;
	v7 =	vmov v20  }
0x115: {  	vm1 =	vgt.f32 v16, $0.0e+00;
	v17 =	vld.idx.msk [tilespmem:v17+s3+$0x0], $0xffff;
	v13 =	vpop (erf);
	v9 =	vmov v21  }
0x116: {  	s16 =	sadd.s32 $0x40, s16;
	s8 =	sadd.s32 $0x40, s8;
	v16 =	vld.idx.msk [tilespmem:v19+s3+$0x0], $0xffff;
	v19 =	vnsel vm1, $0x0, v22;
	v15 =	vpop (erf)  }
0x117: {  	_ =	sdelay $0x3  }
0x118: {  	v9 =	vld.idx.msk [tilespmem:v9+s3+$0x0], $0xffff  }
0x119: {  	v2 =	vsub.f32 v2, v14;
	v7 =	vld.idx.msk [tilespmem:v7+s3+$0x0], $0xffff  }
0x11a: {  	v0 =	vmul.f32 v14, v0;
	v5 =	vmul.f32 v10, v5  }
0x11b: {  	v2 =	vmul.f32 v2, v6;
	v3 =	vsub.f32 v18, v3  }
0x11c: {  	vm1 =	vgt.f32 v0, $0.0e+00;
	vm2 =	vgt.f32 v5, $0.0e+00;
	v0 =	vsub.f32 v17, v10  }
0x11d: {  	v2 =	vnsel vm1, $0x0, v2;
	v3 =	vmul.f32 v3, v8;
	v5 =	vsub.f32 v11, v9  }
0x11e: {  	[tilespmem:s16+$0x10] =	vst v19;
	v0 =	vmul.f32 v0, v13;
	v4 =	vmul.f32 v9, v4;
	v6 =	vsub.f32 v7, v16  }
0x11f: {  	v1 =	vmul.f32 v16, v1;
	[tilespmem:s14+$0xFFFFFFE0] =	vst v2;
	v2 =	vnsel vm0, $0x0, v3;
	v3 =	vmul.f32 v5, v12  }
0x120: {  	v0 =	vnsel vm2, $0x0, v0;
	[tilespmem:s14+$0x0] =	vst v2;
	vm0 =	vgt.f32 v4, $0.0e+00;
	v2 =	vmul.f32 v6, v15  }
0x121: {  	vm1 =	vgt.f32 v1, $0.0e+00;
	[tilespmem:s16+$0xFFFFFFF0] =	vst v0;
	v0 =	vnsel vm0, $0x0, v3  }
0x122: {  	[tilespmem:s16+$0xFFFFFFE0] =	vst v0;
	v0 =	vnsel vm1, $0x0, v2  }
0x123: {  	s8 =	simm.s32 $0x1C700;
	[tilespmem:s16+$0x0] =	vst v0  }
0x124: {  	[spmem:s2] =	stream.indirect.scatter.add.f32 [tilespmem:s8], [sflag:$0x7], $0x1, s15, s29, $0xb8;
	[tilespmem:$0x1FB80] =	vst v63  }
0x125: {  	s8 =	simm.s32 @!p0 $0xA  }
0x126: {  	s11 =	sadd.s32 s18, s22;
	_ =	swait.ge @!p0 [sflag:s8], $0x400  }
0x127: {  	s11 =	sshrl.u32 s11, $0x3;
	[sflag:s8] =	ssyncset.done @!p0 $0x0  }
0x128: {  	s13 =	simm.s32 $0x19700;
	s14 =	sadd.s32 s5, s11;
	[sflag:s8] =	ssyncadd.s32 @!p0 $0xFFFFFC00  }
0x129: {  	[tilespmem:s13], [sflag:$0x5] =	stream.linear.gather [hbm4b:s14+s3], $0x400, $0x38;
	[tilespmem:$0x1FB80] =	vst v63  }
0x12a: {  	s16 =	sadd.s32 s6, s11  }
0x12b: {  	[tilespmem:s19], [sflag:$0x5] =	stream.linear.gather [hbm4b:s16+s3], $0x400, $0x38;
	[tilespmem:$0x1FB80] =	vst v63  }
0x12c: {  	s13 =	sadd.s32 s7, s11;
	s14 =	simm.s32 $0x1BF00  }
0x12d: {  	[tilespmem:s14], [sflag:$0x5] =	stream.linear.gather [hbm4b:s13+s3], $0x400, $0x38;
	[tilespmem:$0x1FB80] =	vst v63  }
0x12e: {  	_ =	swait.ge [sflag:s17], $0x400  }
0x12f: {  	[sflag:s17] =	ssyncset.done $0x0  }
0x130: {  	[sflag:s17] =	ssyncadd.s32 $0xFFFFFC00  }
0x131: {  	_ =	swait.ge [sflag:s17], $0x400  }
0x132: {  	[sflag:s17] =	ssyncset.done $0x0  }
0x133: {  	[sflag:s17] =	ssyncadd.s32 $0xFFFFFC00  }
0x134: {  	_ =	swait.ge [sflag:s17], $0x400  }
0x135: {  	[sflag:s17] =	ssyncset.done $0x0  }
0x136: {  	s8 =	simm.s32 $0x18F20;
	[sflag:s17] =	ssyncadd.s32 $0xFFFFFC00  }
0x137: {  	s16 =	simm.s32 $0x1A320;
	v1 =	vld [tilespmem:s8+$0x10]  }
0x138: {  	s14 =	simm.s32 $0x1B720;
	v2 =	vld [tilespmem:s16+$0x10]  }
0x139: {  	v8 =	vld [tilespmem:s14+$0x10]  }
0x13a: {  	v0 =	vld [tilespmem:s14+$0xFFFFFFE0]  }
0x13b: {  	v10 =	vld [tilespmem:s14+$0xFFFFFFF0]  }
0x13c: {  	v12 =	vld [tilespmem:s14+$0x0]  }
0x13d: {  	v3 =	vld [tilespmem:s16+$0xFFFFFFE0]  }
0x13e: {  	v4 =	vld [tilespmem:s8+$0xFFFFFFF0]  }
0x13f: {  	v5 =	vld [tilespmem:s16+$0xFFFFFFF0]  }
0x140: {  	v6 =	vld [tilespmem:s8+$0x0]  }
0x141: {  	v13 =	vld [tilespmem:s16+$0x0]  }
0x142: {  	s11 =	simm.s32 $0x1A360;
	v14 =	vld [tilespmem:s8+$0xFFFFFFE0]  }
0x143: {  	s13 =	simm.s32 $0x1B760;
	v7 =	vld [tilespmem:s11+$0x10]  }
0x144: {  	v17 =	vld [tilespmem:s13+$0x10]  }
0x145: {  	v9 =	vld.idx.msk [tilespmem:v1+s3+$0x0], $0xffff  }
0x146: {  	v11 =	vld.idx.msk [tilespmem:v2+s3+$0x0], $0xffff  }
0x147: {  	v2 =	vld.idx.msk [tilespmem:v3+s3+$0x0], $0xffff  }
0x148: {  	v15 =	vld.idx.msk [tilespmem:v4+s3+$0x0], $0xffff  }
0x149: {  	v16 =	vld.idx.msk [tilespmem:v5+s3+$0x0], $0xffff  }
0x14a: {  	s16 =	simm.s32 $0x18F60;
	v3 =	vld.idx.msk [tilespmem:v6+s3+$0x0], $0xffff  }
0x14b: {  	(erf) = vrcp.f32 v8;
	v6 =	vld [tilespmem:s16+$0x10]  }
0x14c: {  	(erf) = vrcp.f32 v0;
	v4 =	vld [tilespmem:s13+$0xFFFFFFE0]  }
0x14d: {  	(erf) = vrcp.f32 v10;
	v5 =	vld [tilespmem:s13+$0xFFFFFFF0]  }
0x14e: {  	v1 =	vld [tilespmem:s13+$0x0]  }
0x14f: {  	v18 =	vld [tilespmem:s11+$0xFFFFFFE0];
	(erf) = vrcp.f32 v12  }
0x150: {  	v19 =	vld [tilespmem:s16+$0xFFFFFFF0];
	(erf) = vrcp.f32 v17  }
0x151: {  	v23 =	vld [tilespmem:s16+$0x0];
	(erf) = vrcp.f32 v4  }
0x152: {  	v21 =	vld.idx.msk [tilespmem:v7+s3+$0x0], $0xffff;
	(erf) = vrcp.f32 v5  }
0x153: {  	(erf) = vrcp.f32 v1;
	v20 =	vld.idx.msk [tilespmem:v6+s3+$0x0], $0xffff  }
0x154: {  	v22 =	vld [tilespmem:s11+$0xFFFFFFF0];
	v24 =	vpop (erf)  }
0x155: {  	v7 =	vld [tilespmem:s11+$0x0];
	v11 =	vsub.f32 v11, v9;
	v10 =	vmul.f32 v15, v10;
	v15 =	vsub.f32 v16, v15;
	v6 =	vpop (erf)  }
0x156: {  	v14 =	vld.idx.msk [tilespmem:v14+s3+$0x0], $0xffff;
	v25 =	vmul.f32 v9, v8;
	v26 =	vpop (erf)  }
0x157: {  	v9 =	vld [tilespmem:s16+$0xFFFFFFE0];
	v16 =	vmul.f32 v11, v24;
	v15 =	vmul.f32 v15, v26  }
0x158: {  	vm0 =	vgt.f32 v25, $0.0e+00;
	v11 =	vld.idx.msk [tilespmem:v18+s3+$0x0], $0xffff;
	vm1 =	vgt.f32 v10, $0.0e+00;
	v8 =	vpop (erf);
	v18 =	vsub.f32 v21, v20  }
0x159: {  	s14 =	simm.s32 $0x1CB20;
	v10 =	vld.idx.msk [tilespmem:v19+s3+$0x0], $0xffff;
	v16 =	vnsel vm0, $0x0, v16;
	v15 =	vnsel vm1, $0x0, v15;
	v19 =	vmul.f32 v20, v17;
	v17 =	vpop (erf)  }
0x15a: {  	[tilespmem:s14+$0x10] =	vst v16;
	v16 =	vld.idx.msk [tilespmem:v23+s3+$0x0], $0xffff;
	v20 =	vmul.f32 v3, v12;
	v12 =	vpop (erf);
	v21 =	vmul.f32 v18, v17  }
0x15b: {  	v18 =	vld.idx.msk [tilespmem:v13+s3+$0x0], $0xffff;
	vm1 =	vgt.f32 v19, $0.0e+00;
	v13 =	vpop (erf)  }
0x15c: {  	s30 =	simm.s32 $0x40;
	s8 =	simm.s32 $0x18FA0;
	s16 =	simm.s32 $0x1CB60;
	[tilespmem:s14+$0xFFFFFFF0] =	vst v15;
	v17 =	vld.idx.msk [tilespmem:v22+s3+$0x0], $0xffff;
	vm0 =	vgt.f32 v20, $0.0e+00;
	v15 =	vpop (erf);
	v19 =	vnsel vm1, $0x0, v21  }
.LBB2_7:
0x15d: {  	v20 =	vld [tilespmem:s8+$0x10];
	[tilespmem:s16+$0x10] =	vst v19;
	s11 =	sadd.s32 $0x40, s11;
	v19 =	vmul.f32 v14, v0;
	v14 =	vsub.f32 v2, v14;
	v0 =	vmov v4  }
0x15e: {  	s30 =	sadd.s32 $0x40, s30;
	s13 =	sadd.s32 $0x40, s13;
	v2 =	vmov v11;
	v21 =	vld [tilespmem:s11+$0x10]  }
0x15f: {  	p0 =	slt.u32 s30, $0x3C0;
	v11 =	vmul.f32 v10, v5;
	v22 =	vld [tilespmem:s13+$0x10];
	vm1 =	vgt.f32 v19, $0.0e+00;
	v14 =	vmul.f32 v14, v6;
	v6 =	vmovc v12  }
0x160: {  	v18 =	vsub.f32 v18, v3;
	v4 =	vld [tilespmem:s13+$0xFFFFFFE0]  }
0x161: {  	vm2 =	vgt.f32 v11, $0.0e+00;
	v10 =	vsub.f32 v17, v10;
	v5 =	vld [tilespmem:s13+$0xFFFFFFF0];
	v11 =	vnsel vm1, $0x0, v14  }
0x162: {  	v12 =	vmul.f32 v16, v1;
	v3 =	vmovc v16;
	v1 =	vld [tilespmem:s13+$0x0];
	[tilespmem:s14+$0xFFFFFFE0] =	vst v11;
	v11 =	vmul.f32 v18, v8;
	v8 =	vmov v15  }
0x163: {  	v10 =	vmul.f32 v10, v13;
	v15 =	vld [tilespmem:s11+$0xFFFFFFE0]  }
0x164: {  	v13 =	vld [tilespmem:s8+$0xFFFFFFF0];
	(erf) = vrcp.f32 v22;
	v11 =	vnsel vm0, $0x0, v11;
	vm0 =	vgt.f32 v12, $0.0e+00  }
0x165: {  	v10 =	vnsel vm2, $0x0, v10;
	v12 =	vld.idx.msk [tilespmem:v20+s3+$0x0], $0xffff;
	(erf) = vrcp.f32 v4;
	[tilespmem:s14+$0x0] =	vst v11;
	s14 =	smov.u32 s16  }
0x166: {  	v16 =	vld.idx.msk [tilespmem:v21+s3+$0x0], $0xffff;
	(erf) = vrcp.f32 v5;
	[tilespmem:s16+$0xFFFFFFF0] =	vst v10  }
0x167: {  	v17 =	vld [tilespmem:s11+$0xFFFFFFF0];
	(erf) = vrcp.f32 v1  }
0x168: {  	v19 =	vld [tilespmem:s8+$0x0]  }
0x169: {  	v20 =	vld [tilespmem:s11+$0x0]  }
0x16a: {  	v21 =	vld [tilespmem:s8+$0xFFFFFFE0]  }
0x16b: {  	v14 =	vld.idx.msk [tilespmem:v9+s3+$0x0], $0xffff  }
.Ltmp2:
0x16c: {  	v23 =	vsub.f32 v16, v12;
	v11 =	vld.idx.msk [tilespmem:v15+s3+$0x0], $0xffff;
	(pc) =	sbr.rel @p0 .LBB2_7-.Ltmp2, $4  }
0x16d: {  	v16 =	vmul.f32 v12, v22;
	v10 =	vld.idx.msk [tilespmem:v13+s3+$0x0], $0xffff;
	v12 =	vpop (erf)  }
0x16e: {  	v22 =	vmul.f32 v23, v12;
	v12 =	vpop (erf);
	v18 =	vld.idx.msk [tilespmem:v7+s3+$0x0], $0xffff;
	v7 =	vmov v20  }
0x16f: {  	vm1 =	vgt.f32 v16, $0.0e+00;
	v17 =	vld.idx.msk [tilespmem:v17+s3+$0x0], $0xffff;
	v13 =	vpop (erf);
	v9 =	vmov v21  }
0x170: {  	s16 =	sadd.s32 $0x40, s16;
	s8 =	sadd.s32 $0x40, s8;
	v16 =	vld.idx.msk [tilespmem:v19+s3+$0x0], $0xffff;
	v19 =	vnsel vm1, $0x0, v22;
	v15 =	vpop (erf)  }
0x171: {  	_ =	sdelay $0x3  }
0x172: {  	v9 =	vld.idx.msk [tilespmem:v9+s3+$0x0], $0xffff  }
0x173: {  	v2 =	vsub.f32 v2, v14;
	v7 =	vld.idx.msk [tilespmem:v7+s3+$0x0], $0xffff  }
0x174: {  	v0 =	vmul.f32 v14, v0;
	v5 =	vmul.f32 v10, v5  }
0x175: {  	v2 =	vmul.f32 v2, v6;
	v3 =	vsub.f32 v18, v3  }
0x176: {  	vm1 =	vgt.f32 v0, $0.0e+00;
	vm2 =	vgt.f32 v5, $0.0e+00;
	v0 =	vsub.f32 v17, v10  }
0x177: {  	v2 =	vnsel vm1, $0x0, v2;
	v3 =	vmul.f32 v3, v8;
	v5 =	vsub.f32 v11, v9  }
0x178: {  	[tilespmem:s16+$0x10] =	vst v19;
	v0 =	vmul.f32 v0, v13;
	v4 =	vmul.f32 v9, v4;
	v6 =	vsub.f32 v7, v16  }
0x179: {  	v1 =	vmul.f32 v16, v1;
	[tilespmem:s14+$0xFFFFFFE0] =	vst v2;
	v2 =	vnsel vm0, $0x0, v3;
	v3 =	vmul.f32 v5, v12  }
0x17a: {  	v0 =	vnsel vm2, $0x0, v0;
	[tilespmem:s14+$0x0] =	vst v2;
	vm0 =	vgt.f32 v4, $0.0e+00;
	v2 =	vmul.f32 v6, v15  }
0x17b: {  	vm1 =	vgt.f32 v1, $0.0e+00;
	[tilespmem:s16+$0xFFFFFFF0] =	vst v0;
	v0 =	vnsel vm0, $0x0, v3  }
0x17c: {  	[tilespmem:s16+$0xFFFFFFE0] =	vst v0;
	v0 =	vnsel vm1, $0x0, v2  }
0x17d: {  	s8 =	simm.s32 $0x1CB00;
	[tilespmem:s16+$0x0] =	vst v0  }
0x17e: {  	[spmem:s2] =	stream.indirect.scatter.add.f32 [tilespmem:s8], [sflag:$0x8], $0x1, s25, s29, $0xb8;
	[tilespmem:$0x1FB80] =	vst v63  }
0x17f: {  	s11 =	sadd.s32 s18, s23;
	_ =	swait.ge [sflag:s26], $0x400  }
0x180: {  	s8 =	sshrl.u32 s11, $0x3;
	[sflag:s26] =	ssyncset.done $0x0  }
0x181: {  	s13 =	simm.s32 $0x18700;
	s11 =	sadd.s32 s5, s8;
	[sflag:s26] =	ssyncadd.s32 $0xFFFFFC00  }
0x182: {  	[tilespmem:s13], [sflag:$0x1] =	stream.linear.gather [hbm4b:s11+s3], $0x400, $0x38;
	[tilespmem:$0x1FB80] =	vst v63  }
0x183: {  	s13 =	sadd.s32 s6, s8  }
0x184: {  	[tilespmem:s12], [sflag:$0x1] =	stream.linear.gather [hbm4b:s13+s3], $0x400, $0x38;
	[tilespmem:$0x1FB80] =	vst v63  }
0x185: {  	s14 =	simm.s32 $0x1AF00;
	s8 =	sadd.s32 s7, s8  }
0x186: {  	[tilespmem:s14], [sflag:$0x1] =	stream.linear.gather [hbm4b:s8+s3], $0x400, $0x38;
	[tilespmem:$0x1FB80] =	vst v63  }
0x187: {  	_ =	swait.ge [sflag:s31], $0x400  }
0x188: {  	[sflag:s31] =	ssyncset.done $0x0  }
0x189: {  	[sflag:s31] =	ssyncadd.s32 $0xFFFFFC00  }
0x18a: {  	_ =	swait.ge [sflag:s31], $0x400  }
0x18b: {  	[sflag:s31] =	ssyncset.done $0x0  }
0x18c: {  	[sflag:s31] =	ssyncadd.s32 $0xFFFFFC00  }
0x18d: {  	_ =	swait.ge [sflag:s31], $0x400  }
0x18e: {  	[sflag:s31] =	ssyncset.done $0x0  }
0x18f: {  	s8 =	simm.s32 $0x19320;
	[sflag:s31] =	ssyncadd.s32 $0xFFFFFC00  }
0x190: {  	s16 =	simm.s32 $0x1A720;
	v1 =	vld [tilespmem:s8+$0x10]  }
0x191: {  	s14 =	simm.s32 $0x1BB20;
	v2 =	vld [tilespmem:s16+$0x10]  }
0x192: {  	v8 =	vld [tilespmem:s14+$0x10]  }
0x193: {  	v0 =	vld [tilespmem:s14+$0xFFFFFFE0]  }
0x194: {  	v10 =	vld [tilespmem:s14+$0xFFFFFFF0]  }
0x195: {  	v12 =	vld [tilespmem:s14+$0x0]  }
0x196: {  	v3 =	vld [tilespmem:s16+$0xFFFFFFE0]  }
0x197: {  	v4 =	vld [tilespmem:s8+$0xFFFFFFF0]  }
0x198: {  	v5 =	vld [tilespmem:s16+$0xFFFFFFF0]  }
0x199: {  	v6 =	vld [tilespmem:s8+$0x0]  }
0x19a: {  	v13 =	vld [tilespmem:s16+$0x0]  }
0x19b: {  	s11 =	simm.s32 $0x1A760;
	v14 =	vld [tilespmem:s8+$0xFFFFFFE0]  }
0x19c: {  	s13 =	simm.s32 $0x1BB60;
	v7 =	vld [tilespmem:s11+$0x10]  }
0x19d: {  	v17 =	vld [tilespmem:s13+$0x10]  }
0x19e: {  	v9 =	vld.idx.msk [tilespmem:v1+s3+$0x0], $0xffff  }
0x19f: {  	v11 =	vld.idx.msk [tilespmem:v2+s3+$0x0], $0xffff  }
0x1a0: {  	v2 =	vld.idx.msk [tilespmem:v3+s3+$0x0], $0xffff  }
0x1a1: {  	v15 =	vld.idx.msk [tilespmem:v4+s3+$0x0], $0xffff  }
0x1a2: {  	v16 =	vld.idx.msk [tilespmem:v5+s3+$0x0], $0xffff  }
0x1a3: {  	s16 =	simm.s32 $0x19360;
	v3 =	vld.idx.msk [tilespmem:v6+s3+$0x0], $0xffff  }
0x1a4: {  	(erf) = vrcp.f32 v8;
	v6 =	vld [tilespmem:s16+$0x10]  }
0x1a5: {  	(erf) = vrcp.f32 v0;
	v4 =	vld [tilespmem:s13+$0xFFFFFFE0]  }
0x1a6: {  	(erf) = vrcp.f32 v10;
	v5 =	vld [tilespmem:s13+$0xFFFFFFF0]  }
0x1a7: {  	v1 =	vld [tilespmem:s13+$0x0]  }
0x1a8: {  	v18 =	vld [tilespmem:s11+$0xFFFFFFE0];
	(erf) = vrcp.f32 v12  }
0x1a9: {  	v19 =	vld [tilespmem:s16+$0xFFFFFFF0];
	(erf) = vrcp.f32 v17  }
0x1aa: {  	v23 =	vld [tilespmem:s16+$0x0];
	(erf) = vrcp.f32 v4  }
0x1ab: {  	v21 =	vld.idx.msk [tilespmem:v7+s3+$0x0], $0xffff;
	(erf) = vrcp.f32 v5  }
0x1ac: {  	(erf) = vrcp.f32 v1;
	v20 =	vld.idx.msk [tilespmem:v6+s3+$0x0], $0xffff  }
0x1ad: {  	v22 =	vld [tilespmem:s11+$0xFFFFFFF0];
	v24 =	vpop (erf)  }
0x1ae: {  	v7 =	vld [tilespmem:s11+$0x0];
	v11 =	vsub.f32 v11, v9;
	v10 =	vmul.f32 v15, v10;
	v15 =	vsub.f32 v16, v15;
	v6 =	vpop (erf)  }
0x1af: {  	v14 =	vld.idx.msk [tilespmem:v14+s3+$0x0], $0xffff;
	v25 =	vmul.f32 v9, v8;
	v26 =	vpop (erf)  }
0x1b0: {  	v9 =	vld [tilespmem:s16+$0xFFFFFFE0];
	v16 =	vmul.f32 v11, v24;
	v15 =	vmul.f32 v15, v26  }
0x1b1: {  	vm0 =	vgt.f32 v25, $0.0e+00;
	v11 =	vld.idx.msk [tilespmem:v18+s3+$0x0], $0xffff;
	vm1 =	vgt.f32 v10, $0.0e+00;
	v8 =	vpop (erf);
	v18 =	vsub.f32 v21, v20  }
0x1b2: {  	s14 =	simm.s32 $0x1CF20;
	v10 =	vld.idx.msk [tilespmem:v19+s3+$0x0], $0xffff;
	v16 =	vnsel vm0, $0x0, v16;
	v15 =	vnsel vm1, $0x0, v15;
	v19 =	vmul.f32 v20, v17;
	v17 =	vpop (erf)  }
0x1b3: {  	[tilespmem:s14+$0x10] =	vst v16;
	v16 =	vld.idx.msk [tilespmem:v23+s3+$0x0], $0xffff;
	v20 =	vmul.f32 v3, v12;
	v12 =	vpop (erf);
	v21 =	vmul.f32 v18, v17  }
0x1b4: {  	v18 =	vld.idx.msk [tilespmem:v13+s3+$0x0], $0xffff;
	vm1 =	vgt.f32 v19, $0.0e+00;
	v13 =	vpop (erf)  }
0x1b5: {  	s30 =	simm.s32 $0x40;
	s8 =	simm.s32 $0x193A0;
	s16 =	simm.s32 $0x1CF60;
	[tilespmem:s14+$0xFFFFFFF0] =	vst v15;
	v17 =	vld.idx.msk [tilespmem:v22+s3+$0x0], $0xffff;
	vm0 =	vgt.f32 v20, $0.0e+00;
	v15 =	vpop (erf);
	v19 =	vnsel vm1, $0x0, v21  }
.LBB2_9:
0x1b6: {  	v20 =	vld [tilespmem:s8+$0x10];
	[tilespmem:s16+$0x10] =	vst v19;
	s11 =	sadd.s32 $0x40, s11;
	v19 =	vmul.f32 v14, v0;
	v14 =	vsub.f32 v2, v14;
	v0 =	vmov v4  }
0x1b7: {  	s30 =	sadd.s32 $0x40, s30;
	s13 =	sadd.s32 $0x40, s13;
	v2 =	vmov v11;
	v21 =	vld [tilespmem:s11+$0x10]  }
0x1b8: {  	p0 =	slt.u32 s30, $0x3C0;
	v11 =	vmul.f32 v10, v5;
	v22 =	vld [tilespmem:s13+$0x10];
	vm1 =	vgt.f32 v19, $0.0e+00;
	v14 =	vmul.f32 v14, v6;
	v6 =	vmovc v12  }
0x1b9: {  	v18 =	vsub.f32 v18, v3;
	v4 =	vld [tilespmem:s13+$0xFFFFFFE0]  }
0x1ba: {  	vm2 =	vgt.f32 v11, $0.0e+00;
	v10 =	vsub.f32 v17, v10;
	v5 =	vld [tilespmem:s13+$0xFFFFFFF0];
	v11 =	vnsel vm1, $0x0, v14  }
0x1bb: {  	v12 =	vmul.f32 v16, v1;
	v3 =	vmovc v16;
	v1 =	vld [tilespmem:s13+$0x0];
	[tilespmem:s14+$0xFFFFFFE0] =	vst v11;
	v11 =	vmul.f32 v18, v8;
	v8 =	vmov v15  }
0x1bc: {  	v10 =	vmul.f32 v10, v13;
	v15 =	vld [tilespmem:s11+$0xFFFFFFE0]  }
0x1bd: {  	v13 =	vld [tilespmem:s8+$0xFFFFFFF0];
	(erf) = vrcp.f32 v22;
	v11 =	vnsel vm0, $0x0, v11;
	vm0 =	vgt.f32 v12, $0.0e+00  }
0x1be: {  	v10 =	vnsel vm2, $0x0, v10;
	v12 =	vld.idx.msk [tilespmem:v20+s3+$0x0], $0xffff;
	(erf) = vrcp.f32 v4;
	[tilespmem:s14+$0x0] =	vst v11;
	s14 =	smov.u32 s16  }
0x1bf: {  	v16 =	vld.idx.msk [tilespmem:v21+s3+$0x0], $0xffff;
	(erf) = vrcp.f32 v5;
	[tilespmem:s16+$0xFFFFFFF0] =	vst v10  }
0x1c0: {  	v17 =	vld [tilespmem:s11+$0xFFFFFFF0];
	(erf) = vrcp.f32 v1  }
0x1c1: {  	v19 =	vld [tilespmem:s8+$0x0]  }
0x1c2: {  	v20 =	vld [tilespmem:s11+$0x0]  }
0x1c3: {  	v21 =	vld [tilespmem:s8+$0xFFFFFFE0]  }
0x1c4: {  	v14 =	vld.idx.msk [tilespmem:v9+s3+$0x0], $0xffff  }
.Ltmp3:
0x1c5: {  	v23 =	vsub.f32 v16, v12;
	v11 =	vld.idx.msk [tilespmem:v15+s3+$0x0], $0xffff;
	(pc) =	sbr.rel @p0 .LBB2_9-.Ltmp3, $4  }
0x1c6: {  	v16 =	vmul.f32 v12, v22;
	v10 =	vld.idx.msk [tilespmem:v13+s3+$0x0], $0xffff;
	v12 =	vpop (erf)  }
0x1c7: {  	v22 =	vmul.f32 v23, v12;
	v12 =	vpop (erf);
	v18 =	vld.idx.msk [tilespmem:v7+s3+$0x0], $0xffff;
	v7 =	vmov v20  }
0x1c8: {  	vm1 =	vgt.f32 v16, $0.0e+00;
	v17 =	vld.idx.msk [tilespmem:v17+s3+$0x0], $0xffff;
	v13 =	vpop (erf);
	v9 =	vmov v21  }
0x1c9: {  	s16 =	sadd.s32 $0x40, s16;
	s8 =	sadd.s32 $0x40, s8;
	v16 =	vld.idx.msk [tilespmem:v19+s3+$0x0], $0xffff;
	v19 =	vnsel vm1, $0x0, v22;
	v15 =	vpop (erf)  }
0x1ca: {  	_ =	sdelay $0x3  }
0x1cb: {  	v9 =	vld.idx.msk [tilespmem:v9+s3+$0x0], $0xffff  }
0x1cc: {  	v2 =	vsub.f32 v2, v14;
	v7 =	vld.idx.msk [tilespmem:v7+s3+$0x0], $0xffff  }
0x1cd: {  	v0 =	vmul.f32 v14, v0;
	v5 =	vmul.f32 v10, v5  }
0x1ce: {  	v2 =	vmul.f32 v2, v6;
	v3 =	vsub.f32 v18, v3  }
0x1cf: {  	vm1 =	vgt.f32 v0, $0.0e+00;
	vm2 =	vgt.f32 v5, $0.0e+00;
	v0 =	vsub.f32 v17, v10  }
0x1d0: {  	v2 =	vnsel vm1, $0x0, v2;
	v3 =	vmul.f32 v3, v8;
	v5 =	vsub.f32 v11, v9  }
0x1d1: {  	[tilespmem:s16+$0x10] =	vst v19;
	v0 =	vmul.f32 v0, v13;
	v4 =	vmul.f32 v9, v4;
	v6 =	vsub.f32 v7, v16  }
0x1d2: {  	v1 =	vmul.f32 v16, v1;
	[tilespmem:s14+$0xFFFFFFE0] =	vst v2;
	v2 =	vnsel vm0, $0x0, v3;
	v3 =	vmul.f32 v5, v12  }
0x1d3: {  	v0 =	vnsel vm2, $0x0, v0;
	[tilespmem:s14+$0x0] =	vst v2;
	vm0 =	vgt.f32 v4, $0.0e+00;
	v2 =	vmul.f32 v6, v15  }
0x1d4: {  	vm1 =	vgt.f32 v1, $0.0e+00;
	[tilespmem:s16+$0xFFFFFFF0] =	vst v0;
	v0 =	vnsel vm0, $0x0, v3  }
0x1d5: {  	[tilespmem:s16+$0xFFFFFFE0] =	vst v0;
	v0 =	vnsel vm1, $0x0, v2  }
0x1d6: {  	s8 =	simm.s32 $0x1CF00;
	[tilespmem:s16+$0x0] =	vst v0  }
0x1d7: {  	[spmem:s2] =	stream.indirect.scatter.add.f32 [tilespmem:s8], [sflag:$0x9], $0x1, s0, s29, $0xb8;
	[tilespmem:$0x1FB80] =	vst v63  }
0x1d8: {  	s18 =	sadd.s32 s18, s24;
	_ =	swait.ge [sflag:s9], $0x400  }
0x1d9: {  	s8 =	sshrl.u32 s18, $0x3;
	[sflag:s9] =	ssyncset.done $0x0  }
0x1da: {  	s13 =	simm.s32 $0x18B00;
	s11 =	sadd.s32 s5, s8;
	[sflag:s9] =	ssyncadd.s32 $0xFFFFFC00  }
0x1db: {  	[tilespmem:s13], [sflag:$0x2] =	stream.linear.gather [hbm4b:s11+s3], $0x400, $0x38;
	[tilespmem:$0x1FB80] =	vst v63  }
0x1dc: {  	s30 =	sadd.s32 s6, s8  }
0x1dd: {  	[tilespmem:s15], [sflag:$0x2] =	stream.linear.gather [hbm4b:s30+s3], $0x400, $0x38;
	[tilespmem:$0x1FB80] =	vst v63  }
0x1de: {  	s8 =	sadd.s32 s7, s8;
	s13 =	simm.s32 $0x1B300  }
0x1df: {  	[tilespmem:s13], [sflag:$0x2] =	stream.linear.gather [hbm4b:s8+s3], $0x400, $0x38;
	[tilespmem:$0x1FB80] =	vst v63  }
0x1e0: {  	_ =	swait.ge [sflag:s10], $0x400  }
0x1e1: {  	[sflag:s10] =	ssyncset.done $0x0  }
0x1e2: {  	[sflag:s10] =	ssyncadd.s32 $0xFFFFFC00  }
0x1e3: {  	_ =	swait.ge [sflag:s10], $0x400  }
0x1e4: {  	[sflag:s10] =	ssyncset.done $0x0  }
0x1e5: {  	[sflag:s10] =	ssyncadd.s32 $0xFFFFFC00  }
0x1e6: {  	_ =	swait.ge [sflag:s10], $0x400  }
0x1e7: {  	[sflag:s10] =	ssyncset.done $0x0  }
0x1e8: {  	s14 =	simm.s32 $0x19720;
	[sflag:s10] =	ssyncadd.s32 $0xFFFFFC00  }
0x1e9: {  	s16 =	simm.s32 $0x1AB20;
	v1 =	vld [tilespmem:s14+$0x10]  }
0x1ea: {  	s18 =	simm.s32 $0x1BF20;
	v2 =	vld [tilespmem:s16+$0x10]  }
0x1eb: {  	v8 =	vld [tilespmem:s18+$0x10]  }
0x1ec: {  	v0 =	vld [tilespmem:s18+$0xFFFFFFE0]  }
0x1ed: {  	v10 =	vld [tilespmem:s18+$0xFFFFFFF0]  }
0x1ee: {  	v12 =	vld [tilespmem:s18+$0x0]  }
0x1ef: {  	v3 =	vld [tilespmem:s16+$0xFFFFFFE0]  }
0x1f0: {  	v4 =	vld [tilespmem:s14+$0xFFFFFFF0]  }
0x1f1: {  	v5 =	vld [tilespmem:s16+$0xFFFFFFF0]  }
0x1f2: {  	v6 =	vld [tilespmem:s14+$0x0]  }
0x1f3: {  	v13 =	vld [tilespmem:s16+$0x0]  }
0x1f4: {  	s11 =	simm.s32 $0x1AB60;
	v14 =	vld [tilespmem:s14+$0xFFFFFFE0]  }
0x1f5: {  	s13 =	simm.s32 $0x1BF60;
	v7 =	vld [tilespmem:s11+$0x10]  }
0x1f6: {  	v17 =	vld [tilespmem:s13+$0x10]  }
0x1f7: {  	v9 =	vld.idx.msk [tilespmem:v1+s3+$0x0], $0xffff  }
0x1f8: {  	v11 =	vld.idx.msk [tilespmem:v2+s3+$0x0], $0xffff  }
0x1f9: {  	v2 =	vld.idx.msk [tilespmem:v3+s3+$0x0], $0xffff  }
0x1fa: {  	v15 =	vld.idx.msk [tilespmem:v4+s3+$0x0], $0xffff  }
0x1fb: {  	v16 =	vld.idx.msk [tilespmem:v5+s3+$0x0], $0xffff  }
0x1fc: {  	s30 =	simm.s32 $0x19760;
	v3 =	vld.idx.msk [tilespmem:v6+s3+$0x0], $0xffff  }
0x1fd: {  	(erf) = vrcp.f32 v8;
	v6 =	vld [tilespmem:s30+$0x10]  }
0x1fe: {  	(erf) = vrcp.f32 v0;
	v4 =	vld [tilespmem:s13+$0xFFFFFFE0]  }
0x1ff: {  	(erf) = vrcp.f32 v10;
	v5 =	vld [tilespmem:s13+$0xFFFFFFF0]  }
0x200: {  	v1 =	vld [tilespmem:s13+$0x0]  }
0x201: {  	v18 =	vld [tilespmem:s11+$0xFFFFFFE0];
	(erf) = vrcp.f32 v12  }
0x202: {  	v19 =	vld [tilespmem:s30+$0xFFFFFFF0];
	(erf) = vrcp.f32 v17  }
0x203: {  	v23 =	vld [tilespmem:s30+$0x0];
	(erf) = vrcp.f32 v4  }
0x204: {  	v21 =	vld.idx.msk [tilespmem:v7+s3+$0x0], $0xffff;
	(erf) = vrcp.f32 v5  }
0x205: {  	(erf) = vrcp.f32 v1;
	v20 =	vld.idx.msk [tilespmem:v6+s3+$0x0], $0xffff  }
0x206: {  	v22 =	vld [tilespmem:s11+$0xFFFFFFF0];
	v24 =	vpop (erf)  }
0x207: {  	v7 =	vld [tilespmem:s11+$0x0];
	v11 =	vsub.f32 v11, v9;
	v10 =	vmul.f32 v15, v10;
	v15 =	vsub.f32 v16, v15;
	v6 =	vpop (erf)  }
0x208: {  	v14 =	vld.idx.msk [tilespmem:v14+s3+$0x0], $0xffff;
	v25 =	vmul.f32 v9, v8;
	v26 =	vpop (erf)  }
0x209: {  	v9 =	vld [tilespmem:s30+$0xFFFFFFE0];
	v16 =	vmul.f32 v11, v24;
	v15 =	vmul.f32 v15, v26  }
0x20a: {  	vm0 =	vgt.f32 v25, $0.0e+00;
	v11 =	vld.idx.msk [tilespmem:v18+s3+$0x0], $0xffff;
	vm1 =	vgt.f32 v10, $0.0e+00;
	v8 =	vpop (erf);
	v18 =	vsub.f32 v21, v20  }
0x20b: {  	s14 =	simm.s32 $0x1D320;
	v10 =	vld.idx.msk [tilespmem:v19+s3+$0x0], $0xffff;
	v16 =	vnsel vm0, $0x0, v16;
	v15 =	vnsel vm1, $0x0, v15;
	v19 =	vmul.f32 v20, v17;
	v17 =	vpop (erf)  }
0x20c: {  	[tilespmem:s14+$0x10] =	vst v16;
	v16 =	vld.idx.msk [tilespmem:v23+s3+$0x0], $0xffff;
	v20 =	vmul.f32 v3, v12;
	v12 =	vpop (erf);
	v21 =	vmul.f32 v18, v17  }
0x20d: {  	v18 =	vld.idx.msk [tilespmem:v13+s3+$0x0], $0xffff;
	vm1 =	vgt.f32 v19, $0.0e+00;
	v13 =	vpop (erf)  }
0x20e: {  	s8 =	simm.s32 $0x197A0;
	s18 =	simm.s32 $0x40;
	s16 =	simm.s32 $0x1D360;
	[tilespmem:s14+$0xFFFFFFF0] =	vst v15;
	v17 =	vld.idx.msk [tilespmem:v22+s3+$0x0], $0xffff;
	vm0 =	vgt.f32 v20, $0.0e+00;
	v15 =	vpop (erf);
	v19 =	vnsel vm1, $0x0, v21  }
.LBB2_11:
0x20f: {  	v20 =	vld [tilespmem:s8+$0x10];
	[tilespmem:s16+$0x10] =	vst v19;
	s11 =	sadd.s32 $0x40, s11;
	v19 =	vmul.f32 v14, v0;
	v14 =	vsub.f32 v2, v14;
	v0 =	vmov v4  }
0x210: {  	s18 =	sadd.s32 $0x40, s18;
	s13 =	sadd.s32 $0x40, s13;
	v2 =	vmov v11;
	v21 =	vld [tilespmem:s11+$0x10]  }
0x211: {  	p0 =	slt.u32 s18, $0x3C0;
	v11 =	vmul.f32 v10, v5;
	v22 =	vld [tilespmem:s13+$0x10];
	vm1 =	vgt.f32 v19, $0.0e+00;
	v14 =	vmul.f32 v14, v6;
	v6 =	vmovc v12  }
0x212: {  	v18 =	vsub.f32 v18, v3;
	v4 =	vld [tilespmem:s13+$0xFFFFFFE0]  }
0x213: {  	vm2 =	vgt.f32 v11, $0.0e+00;
	v10 =	vsub.f32 v17, v10;
	v5 =	vld [tilespmem:s13+$0xFFFFFFF0];
	v11 =	vnsel vm1, $0x0, v14  }
0x214: {  	v12 =	vmul.f32 v16, v1;
	v3 =	vmovc v16;
	v1 =	vld [tilespmem:s13+$0x0];
	[tilespmem:s14+$0xFFFFFFE0] =	vst v11;
	v11 =	vmul.f32 v18, v8;
	v8 =	vmov v15  }
0x215: {  	v10 =	vmul.f32 v10, v13;
	v15 =	vld [tilespmem:s11+$0xFFFFFFE0]  }
0x216: {  	v13 =	vld [tilespmem:s8+$0xFFFFFFF0];
	(erf) = vrcp.f32 v22;
	v11 =	vnsel vm0, $0x0, v11;
	vm0 =	vgt.f32 v12, $0.0e+00  }
0x217: {  	v10 =	vnsel vm2, $0x0, v10;
	v12 =	vld.idx.msk [tilespmem:v20+s3+$0x0], $0xffff;
	(erf) = vrcp.f32 v4;
	[tilespmem:s14+$0x0] =	vst v11;
	s14 =	smov.u32 s16  }
0x218: {  	v16 =	vld.idx.msk [tilespmem:v21+s3+$0x0], $0xffff;
	(erf) = vrcp.f32 v5;
	[tilespmem:s16+$0xFFFFFFF0] =	vst v10  }
0x219: {  	v17 =	vld [tilespmem:s11+$0xFFFFFFF0];
	(erf) = vrcp.f32 v1  }
0x21a: {  	v19 =	vld [tilespmem:s8+$0x0]  }
0x21b: {  	v20 =	vld [tilespmem:s11+$0x0]  }
0x21c: {  	v21 =	vld [tilespmem:s8+$0xFFFFFFE0]  }
0x21d: {  	v14 =	vld.idx.msk [tilespmem:v9+s3+$0x0], $0xffff  }
.Ltmp4:
0x21e: {  	v23 =	vsub.f32 v16, v12;
	v11 =	vld.idx.msk [tilespmem:v15+s3+$0x0], $0xffff;
	(pc) =	sbr.rel @p0 .LBB2_11-.Ltmp4, $4  }
0x21f: {  	v16 =	vmul.f32 v12, v22;
	v10 =	vld.idx.msk [tilespmem:v13+s3+$0x0], $0xffff;
	v12 =	vpop (erf)  }
0x220: {  	v22 =	vmul.f32 v23, v12;
	v12 =	vpop (erf);
	v18 =	vld.idx.msk [tilespmem:v7+s3+$0x0], $0xffff;
	v7 =	vmov v20  }
0x221: {  	vm1 =	vgt.f32 v16, $0.0e+00;
	v17 =	vld.idx.msk [tilespmem:v17+s3+$0x0], $0xffff;
	v13 =	vpop (erf);
	v9 =	vmov v21  }
0x222: {  	s16 =	sadd.s32 $0x40, s16;
	s8 =	sadd.s32 $0x40, s8;
	v16 =	vld.idx.msk [tilespmem:v19+s3+$0x0], $0xffff;
	v19 =	vnsel vm1, $0x0, v22;
	v15 =	vpop (erf)  }
0x223: {  	_ =	sdelay $0x3  }
0x224: {  	v9 =	vld.idx.msk [tilespmem:v9+s3+$0x0], $0xffff  }
0x225: {  	v2 =	vsub.f32 v2, v14;
	v7 =	vld.idx.msk [tilespmem:v7+s3+$0x0], $0xffff  }
0x226: {  	v0 =	vmul.f32 v14, v0;
	v5 =	vmul.f32 v10, v5  }
0x227: {  	v2 =	vmul.f32 v2, v6;
	v3 =	vsub.f32 v18, v3  }
0x228: {  	vm1 =	vgt.f32 v0, $0.0e+00;
	vm2 =	vgt.f32 v5, $0.0e+00;
	v56 =	vsub.f32 v17, v10  }
0x229: {  	v2 =	vnsel vm1, $0x0, v2;
	v3 =	vmul.f32 v3, v8;
	v57 =	vsub.f32 v11, v9  }
0x22a: {  	[tilespmem:s16+$0x10] =	vst v19;
	s4 =	sadd.s32 $0x1, s4;
	v0 =	vmul.f32 v56, v13;
	v4 =	vmul.f32 v9, v4;
	v58 =	vsub.f32 v7, v16  }
0x22b: {  	p0 =	sne.s32 s4, $0x13;
	v1 =	vmul.f32 v16, v1;
	[tilespmem:s14+$0xFFFFFFE0] =	vst v2;
	v59 =	vnsel vm0, $0x0, v3;
	v60 =	vmul.f32 v57, v12  }
.Ltmp5:
0x22c: {  	v0 =	vnsel vm2, $0x0, v0;
	[tilespmem:s14+$0x0] =	vst v59;
	vm14 =	vgt.f32 v4, $0.0e+00;
	v61 =	vmul.f32 v58, v15;
	(pc) =	sbr.rel @p0 .LBB2_2-.Ltmp5, $4  }
0x22d: {  	vm15 =	vgt.f32 v1, $0.0e+00;
	[tilespmem:s16+$0xFFFFFFF0] =	vst v0;
	v62 =	vnsel vm14, $0x0, v60  }
0x22e: {  	v63 =	vnsel vm15, $0x0, v61;
	[tilespmem:s16+$0xFFFFFFE0] =	vst v62  }
0x22f: {  	s8 =	simm.s32 $0x1D300;
	[tilespmem:s16+$0x0] =	vst v63  }
0x230: {  	[spmem:s2] =	stream.indirect.scatter.add.f32 [tilespmem:s8], [sflag:$0xA], $0x1, s19, s29, $0xb8;
	[tilespmem:$0x1FB80] =	vst v63  }
0x231: {  	_ =	swait.ge [sflag:s28], $0x400  }
0x232: {  	[sflag:s28] =	ssyncset.done $0x0  }
0x233: {  	[sflag:s28] =	ssyncadd.s32 $0xFFFFFC00  }
0x234: {  	_ =	swait.ge [sflag:s28], $0x400  }
0x235: {  	[sflag:s28] =	ssyncset.done $0x0  }
0x236: {  	[sflag:s28] =	ssyncadd.s32 $0xFFFFFC00  }
0x237: {  	_ =	swait.ge [sflag:s28], $0x400  }
0x238: {  	[sflag:s28] =	ssyncset.done $0x0  }
0x239: {  	s4 =	simm.s32 $0x18720;
	[sflag:s28] =	ssyncadd.s32 $0xFFFFFC00  }
0x23a: {  	s8 =	simm.s32 $0x19B20;
	v1 =	vld [tilespmem:s4+$0x10]  }
0x23b: {  	s11 =	simm.s32 $0x1AF20;
	v2 =	vld [tilespmem:s8+$0x10]  }
0x23c: {  	v8 =	vld [tilespmem:s11+$0x10]  }
0x23d: {  	v0 =	vld [tilespmem:s11+$0xFFFFFFE0]  }
0x23e: {  	v10 =	vld [tilespmem:s11+$0xFFFFFFF0]  }
0x23f: {  	v12 =	vld [tilespmem:s11+$0x0]  }
0x240: {  	v3 =	vld [tilespmem:s8+$0xFFFFFFE0]  }
0x241: {  	v4 =	vld [tilespmem:s4+$0xFFFFFFF0]  }
0x242: {  	v5 =	vld [tilespmem:s8+$0xFFFFFFF0]  }
0x243: {  	v6 =	vld [tilespmem:s4+$0x0]  }
0x244: {  	v13 =	vld [tilespmem:s8+$0x0]  }
0x245: {  	v14 =	vld [tilespmem:s4+$0xFFFFFFE0];
	s4 =	simm.s32 $0x19B60  }
0x246: {  	s11 =	simm.s32 $0x1AF60;
	v7 =	vld [tilespmem:s4+$0x10]  }
0x247: {  	v17 =	vld [tilespmem:s11+$0x10]  }
0x248: {  	v9 =	vld.idx.msk [tilespmem:v1+s3+$0x0], $0xffff  }
0x249: {  	v11 =	vld.idx.msk [tilespmem:v2+s3+$0x0], $0xffff  }
0x24a: {  	v2 =	vld.idx.msk [tilespmem:v3+s3+$0x0], $0xffff  }
0x24b: {  	v15 =	vld.idx.msk [tilespmem:v4+s3+$0x0], $0xffff  }
0x24c: {  	v16 =	vld.idx.msk [tilespmem:v5+s3+$0x0], $0xffff  }
0x24d: {  	s30 =	simm.s32 $0x18760;
	v3 =	vld.idx.msk [tilespmem:v6+s3+$0x0], $0xffff  }
0x24e: {  	(erf) = vrcp.f32 v8;
	v6 =	vld [tilespmem:s30+$0x10]  }
0x24f: {  	(erf) = vrcp.f32 v0;
	v4 =	vld [tilespmem:s11+$0xFFFFFFE0]  }
0x250: {  	(erf) = vrcp.f32 v10;
	v5 =	vld [tilespmem:s11+$0xFFFFFFF0]  }
0x251: {  	v1 =	vld [tilespmem:s11+$0x0]  }
0x252: {  	v19 =	vld [tilespmem:s30+$0xFFFFFFF0];
	(erf) = vrcp.f32 v12  }
0x253: {  	v18 =	vld [tilespmem:s4+$0xFFFFFFE0];
	(erf) = vrcp.f32 v17  }
0x254: {  	v23 =	vld [tilespmem:s30+$0x0];
	(erf) = vrcp.f32 v4  }
0x255: {  	v21 =	vld.idx.msk [tilespmem:v7+s3+$0x0], $0xffff;
	(erf) = vrcp.f32 v5  }
0x256: {  	(erf) = vrcp.f32 v1;
	v20 =	vld.idx.msk [tilespmem:v6+s3+$0x0], $0xffff  }
0x257: {  	v22 =	vld [tilespmem:s4+$0xFFFFFFF0];
	v24 =	vpop (erf)  }
0x258: {  	v14 =	vld.idx.msk [tilespmem:v14+s3+$0x0], $0xffff;
	v11 =	vsub.f32 v11, v9;
	v10 =	vmul.f32 v15, v10;
	v15 =	vsub.f32 v16, v15;
	v6 =	vpop (erf)  }
0x259: {  	v7 =	vld [tilespmem:s4+$0x0];
	v25 =	vmul.f32 v9, v8;
	v26 =	vpop (erf)  }
0x25a: {  	v9 =	vld [tilespmem:s30+$0xFFFFFFE0];
	v16 =	vmul.f32 v11, v24;
	v15 =	vmul.f32 v15, v26  }
0x25b: {  	vm0 =	vgt.f32 v25, $0.0e+00;
	v11 =	vld.idx.msk [tilespmem:v18+s3+$0x0], $0xffff;
	vm1 =	vgt.f32 v10, $0.0e+00;
	v8 =	vpop (erf);
	v18 =	vsub.f32 v21, v20  }
0x25c: {  	s13 =	simm.s32 $0x1C320;
	v10 =	vld.idx.msk [tilespmem:v19+s3+$0x0], $0xffff;
	v16 =	vnsel vm0, $0x0, v16;
	v15 =	vnsel vm1, $0x0, v15;
	v19 =	vmul.f32 v20, v17;
	v17 =	vpop (erf)  }
0x25d: {  	[tilespmem:s13+$0x10] =	vst v16;
	v16 =	vld.idx.msk [tilespmem:v23+s3+$0x0], $0xffff;
	v20 =	vmul.f32 v3, v12;
	v12 =	vpop (erf);
	v21 =	vmul.f32 v18, v17  }
0x25e: {  	v18 =	vld.idx.msk [tilespmem:v13+s3+$0x0], $0xffff;
	vm1 =	vgt.f32 v19, $0.0e+00;
	v13 =	vpop (erf)  }
0x25f: {  	s16 =	simm.s32 $0x40;
	s14 =	simm.s32 $0x1C360;
	s8 =	simm.s32 $0x187A0;
	[tilespmem:s13+$0xFFFFFFF0] =	vst v15;
	v17 =	vld.idx.msk [tilespmem:v22+s3+$0x0], $0xffff;
	vm0 =	vgt.f32 v20, $0.0e+00;
	v15 =	vpop (erf);
	v19 =	vnsel vm1, $0x0, v21  }
.LBB2_14:
0x260: {  	v20 =	vld [tilespmem:s8+$0x10];
	[tilespmem:s14+$0x10] =	vst v19;
	s4 =	sadd.s32 $0x40, s4;
	v19 =	vmul.f32 v14, v0;
	v14 =	vsub.f32 v2, v14;
	v0 =	vmov v4  }
0x261: {  	s16 =	sadd.s32 $0x40, s16;
	s11 =	sadd.s32 $0x40, s11;
	v2 =	vmov v11;
	v21 =	vld [tilespmem:s4+$0x10]  }
0x262: {  	p0 =	slt.u32 s16, $0x3C0;
	v11 =	vmul.f32 v10, v5;
	v22 =	vld [tilespmem:s11+$0x10];
	vm1 =	vgt.f32 v19, $0.0e+00;
	v14 =	vmul.f32 v14, v6;
	v6 =	vmovc v12  }
0x263: {  	v18 =	vsub.f32 v18, v3;
	v4 =	vld [tilespmem:s11+$0xFFFFFFE0]  }
0x264: {  	vm2 =	vgt.f32 v11, $0.0e+00;
	v10 =	vsub.f32 v17, v10;
	v5 =	vld [tilespmem:s11+$0xFFFFFFF0];
	v11 =	vnsel vm1, $0x0, v14  }
0x265: {  	v12 =	vmul.f32 v16, v1;
	v3 =	vmovc v16;
	v1 =	vld [tilespmem:s11+$0x0];
	[tilespmem:s13+$0xFFFFFFE0] =	vst v11;
	v11 =	vmul.f32 v18, v8;
	v8 =	vmov v15  }
0x266: {  	v10 =	vmul.f32 v10, v13;
	v15 =	vld [tilespmem:s4+$0xFFFFFFE0]  }
0x267: {  	v13 =	vld [tilespmem:s8+$0xFFFFFFF0];
	(erf) = vrcp.f32 v22;
	v11 =	vnsel vm0, $0x0, v11;
	vm0 =	vgt.f32 v12, $0.0e+00  }
0x268: {  	v10 =	vnsel vm2, $0x0, v10;
	v12 =	vld.idx.msk [tilespmem:v20+s3+$0x0], $0xffff;
	(erf) = vrcp.f32 v4;
	[tilespmem:s13+$0x0] =	vst v11;
	s13 =	smov.u32 s14  }
0x269: {  	v16 =	vld.idx.msk [tilespmem:v21+s3+$0x0], $0xffff;
	(erf) = vrcp.f32 v5;
	[tilespmem:s14+$0xFFFFFFF0] =	vst v10  }
0x26a: {  	v17 =	vld [tilespmem:s4+$0xFFFFFFF0];
	(erf) = vrcp.f32 v1  }
0x26b: {  	v19 =	vld [tilespmem:s8+$0x0]  }
0x26c: {  	v20 =	vld [tilespmem:s4+$0x0]  }
0x26d: {  	v21 =	vld [tilespmem:s8+$0xFFFFFFE0]  }
0x26e: {  	v14 =	vld.idx.msk [tilespmem:v9+s3+$0x0], $0xffff  }
.Ltmp6:
0x26f: {  	v23 =	vsub.f32 v16, v12;
	v11 =	vld.idx.msk [tilespmem:v15+s3+$0x0], $0xffff;
	(pc) =	sbr.rel @p0 .LBB2_14-.Ltmp6, $4  }
0x270: {  	v16 =	vmul.f32 v12, v22;
	v10 =	vld.idx.msk [tilespmem:v13+s3+$0x0], $0xffff;
	v12 =	vpop (erf)  }
0x271: {  	v22 =	vmul.f32 v23, v12;
	v12 =	vpop (erf);
	v18 =	vld.idx.msk [tilespmem:v7+s3+$0x0], $0xffff;
	v7 =	vmov v20  }
0x272: {  	vm1 =	vgt.f32 v16, $0.0e+00;
	v17 =	vld.idx.msk [tilespmem:v17+s3+$0x0], $0xffff;
	v13 =	vpop (erf);
	v9 =	vmov v21  }
0x273: {  	s14 =	sadd.s32 $0x40, s14;
	s8 =	sadd.s32 $0x40, s8;
	v16 =	vld.idx.msk [tilespmem:v19+s3+$0x0], $0xffff;
	v19 =	vnsel vm1, $0x0, v22;
	v15 =	vpop (erf)  }
0x274: {  	_ =	sdelay $0x3  }
0x275: {  	v9 =	vld.idx.msk [tilespmem:v9+s3+$0x0], $0xffff  }
0x276: {  	v2 =	vsub.f32 v2, v14;
	v7 =	vld.idx.msk [tilespmem:v7+s3+$0x0], $0xffff  }
0x277: {  	v0 =	vmul.f32 v14, v0;
	v5 =	vmul.f32 v10, v5  }
0x278: {  	v2 =	vmul.f32 v2, v6;
	v3 =	vsub.f32 v18, v3  }
0x279: {  	vm1 =	vgt.f32 v0, $0.0e+00;
	vm2 =	vgt.f32 v5, $0.0e+00;
	v0 =	vsub.f32 v17, v10  }
0x27a: {  	v2 =	vnsel vm1, $0x0, v2;
	v3 =	vmul.f32 v3, v8;
	v5 =	vsub.f32 v11, v9  }
0x27b: {  	[tilespmem:s14+$0x10] =	vst v19;
	v0 =	vmul.f32 v0, v13;
	v4 =	vmul.f32 v9, v4;
	v6 =	vsub.f32 v7, v16  }
0x27c: {  	v1 =	vmul.f32 v16, v1;
	[tilespmem:s13+$0xFFFFFFE0] =	vst v2;
	v2 =	vnsel vm0, $0x0, v3;
	v3 =	vmul.f32 v5, v12  }
0x27d: {  	v0 =	vnsel vm2, $0x0, v0;
	[tilespmem:s13+$0x0] =	vst v2;
	vm0 =	vgt.f32 v4, $0.0e+00;
	v2 =	vmul.f32 v6, v15  }
0x27e: {  	vm1 =	vgt.f32 v1, $0.0e+00;
	[tilespmem:s14+$0xFFFFFFF0] =	vst v0;
	v0 =	vnsel vm0, $0x0, v3  }
0x27f: {  	[tilespmem:s14+$0xFFFFFFE0] =	vst v0;
	v0 =	vnsel vm1, $0x0, v2  }
0x280: {  	s4 =	simm.s32 $0x1C300;
	[tilespmem:s14+$0x0] =	vst v0  }
0x281: {  	[spmem:s2] =	stream.indirect.scatter.add.f32 [tilespmem:s4], [sflag:$0x6], $0x1, s12, s29, $0xb8;
	[tilespmem:$0x1FB80] =	vst v63  }
0x282: {  	_ =	swait.ge [sflag:s1], $0x400  }
0x283: {  	[sflag:s1] =	ssyncset.done $0x0  }
0x284: {  	[sflag:s1] =	ssyncadd.s32 $0xFFFFFC00  }
0x285: {  	_ =	swait.ge [sflag:s1], $0x400  }
0x286: {  	[sflag:s1] =	ssyncset.done $0x0  }
0x287: {  	[sflag:s1] =	ssyncadd.s32 $0xFFFFFC00  }
0x288: {  	_ =	swait.ge [sflag:s1], $0x400  }
0x289: {  	[sflag:s1] =	ssyncset.done $0x0  }
0x28a: {  	s20 =	simm.s32 $0x18B20;
	[sflag:s1] =	ssyncadd.s32 $0xFFFFFC00  }
0x28b: {  	s8 =	simm.s32 $0x19F20;
	v1 =	vld [tilespmem:s20+$0x10]  }
0x28c: {  	s11 =	simm.s32 $0x1B320;
	v2 =	vld [tilespmem:s8+$0x10]  }
0x28d: {  	v8 =	vld [tilespmem:s11+$0x10]  }
0x28e: {  	v0 =	vld [tilespmem:s11+$0xFFFFFFE0]  }
0x28f: {  	v10 =	vld [tilespmem:s11+$0xFFFFFFF0]  }
0x290: {  	v12 =	vld [tilespmem:s11+$0x0]  }
0x291: {  	v3 =	vld [tilespmem:s8+$0xFFFFFFE0]  }
0x292: {  	v4 =	vld [tilespmem:s20+$0xFFFFFFF0]  }
0x293: {  	v5 =	vld [tilespmem:s8+$0xFFFFFFF0]  }
0x294: {  	v6 =	vld [tilespmem:s20+$0x0]  }
0x295: {  	v13 =	vld [tilespmem:s8+$0x0]  }
0x296: {  	s4 =	simm.s32 $0x19F60;
	v14 =	vld [tilespmem:s20+$0xFFFFFFE0]  }
0x297: {  	v7 =	vld [tilespmem:s4+$0x10];
	s11 =	simm.s32 $0x1B360  }
0x298: {  	v17 =	vld [tilespmem:s11+$0x10]  }
0x299: {  	v9 =	vld.idx.msk [tilespmem:v1+s3+$0x0], $0xffff  }
0x29a: {  	v11 =	vld.idx.msk [tilespmem:v2+s3+$0x0], $0xffff  }
0x29b: {  	v2 =	vld.idx.msk [tilespmem:v3+s3+$0x0], $0xffff  }
0x29c: {  	v15 =	vld.idx.msk [tilespmem:v4+s3+$0x0], $0xffff  }
0x29d: {  	v16 =	vld.idx.msk [tilespmem:v5+s3+$0x0], $0xffff  }
0x29e: {  	s30 =	simm.s32 $0x18B60;
	v3 =	vld.idx.msk [tilespmem:v6+s3+$0x0], $0xffff  }
0x29f: {  	(erf) = vrcp.f32 v8;
	v6 =	vld [tilespmem:s30+$0x10]  }
0x2a0: {  	(erf) = vrcp.f32 v0;
	v4 =	vld [tilespmem:s11+$0xFFFFFFE0]  }
0x2a1: {  	(erf) = vrcp.f32 v10;
	v5 =	vld [tilespmem:s11+$0xFFFFFFF0]  }
0x2a2: {  	v1 =	vld [tilespmem:s11+$0x0]  }
0x2a3: {  	v18 =	vld [tilespmem:s4+$0xFFFFFFE0];
	(erf) = vrcp.f32 v12  }
0x2a4: {  	v19 =	vld [tilespmem:s30+$0xFFFFFFF0];
	(erf) = vrcp.f32 v17  }
0x2a5: {  	v23 =	vld [tilespmem:s30+$0x0];
	(erf) = vrcp.f32 v4  }
0x2a6: {  	v21 =	vld.idx.msk [tilespmem:v7+s3+$0x0], $0xffff;
	(erf) = vrcp.f32 v5  }
0x2a7: {  	(erf) = vrcp.f32 v1;
	v20 =	vld.idx.msk [tilespmem:v6+s3+$0x0], $0xffff  }
0x2a8: {  	v22 =	vld [tilespmem:s4+$0xFFFFFFF0];
	v24 =	vpop (erf)  }
0x2a9: {  	v7 =	vld [tilespmem:s4+$0x0];
	v11 =	vsub.f32 v11, v9;
	v10 =	vmul.f32 v15, v10;
	v15 =	vsub.f32 v16, v15;
	v6 =	vpop (erf)  }
0x2aa: {  	v14 =	vld.idx.msk [tilespmem:v14+s3+$0x0], $0xffff;
	v25 =	vmul.f32 v9, v8;
	v26 =	vpop (erf)  }
0x2ab: {  	v9 =	vld [tilespmem:s30+$0xFFFFFFE0];
	v16 =	vmul.f32 v11, v24;
	v15 =	vmul.f32 v15, v26  }
0x2ac: {  	vm0 =	vgt.f32 v25, $0.0e+00;
	v11 =	vld.idx.msk [tilespmem:v18+s3+$0x0], $0xffff;
	vm1 =	vgt.f32 v10, $0.0e+00;
	v8 =	vpop (erf);
	v18 =	vsub.f32 v21, v20  }
0x2ad: {  	s13 =	simm.s32 $0x1C720;
	v10 =	vld.idx.msk [tilespmem:v19+s3+$0x0], $0xffff;
	v16 =	vnsel vm0, $0x0, v16;
	v15 =	vnsel vm1, $0x0, v15;
	v19 =	vmul.f32 v20, v17;
	v17 =	vpop (erf)  }
0x2ae: {  	[tilespmem:s13+$0x10] =	vst v16;
	v16 =	vld.idx.msk [tilespmem:v23+s3+$0x0], $0xffff;
	v20 =	vmul.f32 v3, v12;
	v12 =	vpop (erf);
	v21 =	vmul.f32 v18, v17  }
0x2af: {  	v18 =	vld.idx.msk [tilespmem:v13+s3+$0x0], $0xffff;
	vm1 =	vgt.f32 v19, $0.0e+00;
	v13 =	vpop (erf)  }
0x2b0: {  	s16 =	simm.s32 $0x40;
	s14 =	simm.s32 $0x1C760;
	s8 =	simm.s32 $0x18BA0;
	[tilespmem:s13+$0xFFFFFFF0] =	vst v15;
	v17 =	vld.idx.msk [tilespmem:v22+s3+$0x0], $0xffff;
	vm0 =	vgt.f32 v20, $0.0e+00;
	v15 =	vpop (erf);
	v19 =	vnsel vm1, $0x0, v21  }
.LBB2_16:
0x2b1: {  	v20 =	vld [tilespmem:s8+$0x10];
	[tilespmem:s14+$0x10] =	vst v19;
	s4 =	sadd.s32 $0x40, s4;
	v19 =	vmul.f32 v14, v0;
	v14 =	vsub.f32 v2, v14;
	v0 =	vmov v4  }
0x2b2: {  	s16 =	sadd.s32 $0x40, s16;
	s11 =	sadd.s32 $0x40, s11;
	v2 =	vmov v11;
	v21 =	vld [tilespmem:s4+$0x10]  }
0x2b3: {  	p0 =	slt.u32 s16, $0x3C0;
	v11 =	vmul.f32 v10, v5;
	v22 =	vld [tilespmem:s11+$0x10];
	vm1 =	vgt.f32 v19, $0.0e+00;
	v14 =	vmul.f32 v14, v6;
	v6 =	vmovc v12  }
0x2b4: {  	v18 =	vsub.f32 v18, v3;
	v4 =	vld [tilespmem:s11+$0xFFFFFFE0]  }
0x2b5: {  	vm2 =	vgt.f32 v11, $0.0e+00;
	v10 =	vsub.f32 v17, v10;
	v5 =	vld [tilespmem:s11+$0xFFFFFFF0];
	v11 =	vnsel vm1, $0x0, v14  }
0x2b6: {  	v12 =	vmul.f32 v16, v1;
	v3 =	vmovc v16;
	v1 =	vld [tilespmem:s11+$0x0];
	[tilespmem:s13+$0xFFFFFFE0] =	vst v11;
	v11 =	vmul.f32 v18, v8;
	v8 =	vmov v15  }
0x2b7: {  	v10 =	vmul.f32 v10, v13;
	v15 =	vld [tilespmem:s4+$0xFFFFFFE0]  }
0x2b8: {  	v13 =	vld [tilespmem:s8+$0xFFFFFFF0];
	(erf) = vrcp.f32 v22;
	v11 =	vnsel vm0, $0x0, v11;
	vm0 =	vgt.f32 v12, $0.0e+00  }
0x2b9: {  	v10 =	vnsel vm2, $0x0, v10;
	v12 =	vld.idx.msk [tilespmem:v20+s3+$0x0], $0xffff;
	(erf) = vrcp.f32 v4;
	[tilespmem:s13+$0x0] =	vst v11;
	s13 =	smov.u32 s14  }
0x2ba: {  	v16 =	vld.idx.msk [tilespmem:v21+s3+$0x0], $0xffff;
	(erf) = vrcp.f32 v5;
	[tilespmem:s14+$0xFFFFFFF0] =	vst v10  }
0x2bb: {  	v17 =	vld [tilespmem:s4+$0xFFFFFFF0];
	(erf) = vrcp.f32 v1  }
0x2bc: {  	v19 =	vld [tilespmem:s8+$0x0]  }
0x2bd: {  	v20 =	vld [tilespmem:s4+$0x0]  }
0x2be: {  	v21 =	vld [tilespmem:s8+$0xFFFFFFE0]  }
0x2bf: {  	v14 =	vld.idx.msk [tilespmem:v9+s3+$0x0], $0xffff  }
.Ltmp7:
0x2c0: {  	v23 =	vsub.f32 v16, v12;
	v11 =	vld.idx.msk [tilespmem:v15+s3+$0x0], $0xffff;
	(pc) =	sbr.rel @p0 .LBB2_16-.Ltmp7, $4  }
0x2c1: {  	v16 =	vmul.f32 v12, v22;
	v10 =	vld.idx.msk [tilespmem:v13+s3+$0x0], $0xffff;
	v12 =	vpop (erf)  }
0x2c2: {  	v22 =	vmul.f32 v23, v12;
	v12 =	vpop (erf);
	v18 =	vld.idx.msk [tilespmem:v7+s3+$0x0], $0xffff;
	v7 =	vmov v20  }
0x2c3: {  	vm1 =	vgt.f32 v16, $0.0e+00;
	v17 =	vld.idx.msk [tilespmem:v17+s3+$0x0], $0xffff;
	v13 =	vpop (erf);
	v9 =	vmov v21  }
0x2c4: {  	s14 =	sadd.s32 $0x40, s14;
	s8 =	sadd.s32 $0x40, s8;
	v16 =	vld.idx.msk [tilespmem:v19+s3+$0x0], $0xffff;
	v19 =	vnsel vm1, $0x0, v22;
	v15 =	vpop (erf)  }
0x2c5: {  	_ =	sdelay $0x3  }
0x2c6: {  	v9 =	vld.idx.msk [tilespmem:v9+s3+$0x0], $0xffff  }
0x2c7: {  	v2 =	vsub.f32 v2, v14;
	v7 =	vld.idx.msk [tilespmem:v7+s3+$0x0], $0xffff  }
0x2c8: {  	v0 =	vmul.f32 v14, v0;
	v5 =	vmul.f32 v10, v5  }
0x2c9: {  	v2 =	vmul.f32 v2, v6;
	v3 =	vsub.f32 v18, v3  }
0x2ca: {  	vm1 =	vgt.f32 v0, $0.0e+00;
	vm2 =	vgt.f32 v5, $0.0e+00;
	v0 =	vsub.f32 v17, v10  }
0x2cb: {  	v2 =	vnsel vm1, $0x0, v2;
	v3 =	vmul.f32 v3, v8;
	v5 =	vsub.f32 v11, v9  }
0x2cc: {  	[tilespmem:s14+$0x10] =	vst v19;
	v0 =	vmul.f32 v0, v13;
	v4 =	vmul.f32 v9, v4;
	v6 =	vsub.f32 v7, v16  }
0x2cd: {  	v1 =	vmul.f32 v16, v1;
	[tilespmem:s13+$0xFFFFFFE0] =	vst v2;
	v2 =	vnsel vm0, $0x0, v3;
	v3 =	vmul.f32 v5, v12  }
0x2ce: {  	v0 =	vnsel vm2, $0x0, v0;
	[tilespmem:s13+$0x0] =	vst v2;
	vm0 =	vgt.f32 v4, $0.0e+00;
	v2 =	vmul.f32 v6, v15  }
0x2cf: {  	vm1 =	vgt.f32 v1, $0.0e+00;
	[tilespmem:s14+$0xFFFFFFF0] =	vst v0;
	v0 =	vnsel vm0, $0x0, v3  }
0x2d0: {  	[tilespmem:s14+$0xFFFFFFE0] =	vst v0;
	v0 =	vnsel vm1, $0x0, v2  }
0x2d1: {  	s4 =	simm.s32 $0x1C700;
	s16 =	simm.s32 $0xB;
	[tilespmem:s14+$0x0] =	vst v0  }
0x2d2: {  	[spmem:s2] =	stream.indirect.scatter.add.f32 [tilespmem:s4], [sflag:$0x7], $0x1, s15, s29, $0xb8;
	[tilespmem:$0x1FB80] =	vst v63  }
0x2d3: {  	_ =	swait.ge [sflag:s16], $0x2A0  }
0x2d4: {  	[sflag:s16] =	ssyncset.done $0x0  }
0x2d5: {  	[sflag:s16] =	ssyncadd.s32 $0xFFFFFD60  }
0x2d6: {  	_ =	swait.ge [sflag:s16], $0x2A0  }
0x2d7: {  	[sflag:s16] =	ssyncset.done $0x0  }
0x2d8: {  	[sflag:s16] =	ssyncadd.s32 $0xFFFFFD60  }
0x2d9: {  	_ =	swait.ge [sflag:s16], $0x2A0  }
0x2da: {  	[sflag:s16] =	ssyncset.done $0x0  }
0x2db: {  	s18 =	simm.s32 $0x1D720;
	[sflag:s16] =	ssyncadd.s32 $0xFFFFFD60  }
0x2dc: {  	s8 =	simm.s32 $0x1DA20;
	v1 =	vld [tilespmem:s18+$0x10]  }
0x2dd: {  	s11 =	simm.s32 $0x1DD20;
	v2 =	vld [tilespmem:s8+$0x10]  }
0x2de: {  	v8 =	vld [tilespmem:s11+$0x10]  }
0x2df: {  	v0 =	vld [tilespmem:s11+$0xFFFFFFE0]  }
0x2e0: {  	v10 =	vld [tilespmem:s11+$0xFFFFFFF0]  }
0x2e1: {  	v12 =	vld [tilespmem:s11+$0x0]  }
0x2e2: {  	v3 =	vld [tilespmem:s8+$0xFFFFFFE0]  }
0x2e3: {  	v4 =	vld [tilespmem:s18+$0xFFFFFFF0]  }
0x2e4: {  	v5 =	vld [tilespmem:s8+$0xFFFFFFF0]  }
0x2e5: {  	v6 =	vld [tilespmem:s18+$0x0]  }
0x2e6: {  	v13 =	vld [tilespmem:s8+$0x0]  }
0x2e7: {  	s13 =	simm.s32 $0x1DA60;
	v14 =	vld [tilespmem:s18+$0xFFFFFFE0]  }
0x2e8: {  	s14 =	simm.s32 $0x1DD60;
	v7 =	vld [tilespmem:s13+$0x10]  }
0x2e9: {  	v17 =	vld [tilespmem:s14+$0x10]  }
0x2ea: {  	v9 =	vld.idx.msk [tilespmem:v1+s3+$0x0], $0xffff  }
0x2eb: {  	v11 =	vld.idx.msk [tilespmem:v2+s3+$0x0], $0xffff  }
0x2ec: {  	v2 =	vld.idx.msk [tilespmem:v3+s3+$0x0], $0xffff  }
0x2ed: {  	v15 =	vld.idx.msk [tilespmem:v4+s3+$0x0], $0xffff  }
0x2ee: {  	v16 =	vld.idx.msk [tilespmem:v5+s3+$0x0], $0xffff  }
0x2ef: {  	s20 =	simm.s32 $0x1D760;
	v3 =	vld.idx.msk [tilespmem:v6+s3+$0x0], $0xffff  }
0x2f0: {  	(erf) = vrcp.f32 v8;
	v6 =	vld [tilespmem:s20+$0x10]  }
0x2f1: {  	(erf) = vrcp.f32 v0;
	v4 =	vld [tilespmem:s14+$0xFFFFFFE0]  }
0x2f2: {  	(erf) = vrcp.f32 v10;
	v5 =	vld [tilespmem:s14+$0xFFFFFFF0]  }
0x2f3: {  	v1 =	vld [tilespmem:s14+$0x0]  }
0x2f4: {  	v18 =	vld [tilespmem:s13+$0xFFFFFFE0];
	(erf) = vrcp.f32 v12  }
0x2f5: {  	v19 =	vld [tilespmem:s20+$0xFFFFFFF0];
	(erf) = vrcp.f32 v17  }
0x2f6: {  	v23 =	vld [tilespmem:s20+$0x0];
	(erf) = vrcp.f32 v4  }
0x2f7: {  	v21 =	vld.idx.msk [tilespmem:v7+s3+$0x0], $0xffff;
	(erf) = vrcp.f32 v5  }
0x2f8: {  	(erf) = vrcp.f32 v1;
	v20 =	vld.idx.msk [tilespmem:v6+s3+$0x0], $0xffff  }
0x2f9: {  	v22 =	vld [tilespmem:s13+$0xFFFFFFF0];
	v24 =	vpop (erf)  }
0x2fa: {  	v7 =	vld [tilespmem:s13+$0x0];
	v11 =	vsub.f32 v11, v9;
	v10 =	vmul.f32 v15, v10;
	v15 =	vsub.f32 v16, v15;
	v6 =	vpop (erf)  }
0x2fb: {  	v14 =	vld.idx.msk [tilespmem:v14+s3+$0x0], $0xffff;
	v25 =	vmul.f32 v9, v8;
	v26 =	vpop (erf)  }
0x2fc: {  	v9 =	vld [tilespmem:s20+$0xFFFFFFE0];
	v16 =	vmul.f32 v11, v24;
	v15 =	vmul.f32 v15, v26  }
0x2fd: {  	vm0 =	vgt.f32 v25, $0.0e+00;
	v11 =	vld.idx.msk [tilespmem:v18+s3+$0x0], $0xffff;
	vm1 =	vgt.f32 v10, $0.0e+00;
	v8 =	vpop (erf);
	v18 =	vsub.f32 v21, v20  }
0x2fe: {  	s16 =	simm.s32 $0x1E020;
	v10 =	vld.idx.msk [tilespmem:v19+s3+$0x0], $0xffff;
	v16 =	vnsel vm0, $0x0, v16;
	v15 =	vnsel vm1, $0x0, v15;
	v19 =	vmul.f32 v20, v17;
	v17 =	vpop (erf)  }
0x2ff: {  	[tilespmem:s16+$0x10] =	vst v16;
	v16 =	vld.idx.msk [tilespmem:v23+s3+$0x0], $0xffff;
	v20 =	vmul.f32 v3, v12;
	v12 =	vpop (erf);
	v21 =	vmul.f32 v18, v17  }
0x300: {  	s30 =	simm.s32 $0x1E060;
	s4 =	simm.s32 $0x1DC80;
	s18 =	simm.s32 $0x1D980;
	v17 =	vld.idx.msk [tilespmem:v13+s3+$0x0], $0xffff;
	vm1 =	vgt.f32 v19, $0.0e+00;
	v13 =	vpop (erf)  }
0x301: {  	s11 =	simm.s32 $0x1DF80;
	s8 =	simm.s32 $0x40;
	s20 =	simm.s32 $0x1D7A0;
	[tilespmem:s16+$0xFFFFFFF0] =	vst v15;
	v18 =	vld.idx.msk [tilespmem:v22+s3+$0x0], $0xffff;
	vm0 =	vgt.f32 v20, $0.0e+00;
	v15 =	vpop (erf);
	v19 =	vnsel vm1, $0x0, v21  }
.LBB2_18:
0x302: {  	v20 =	vld [tilespmem:s20+$0x10];
	[tilespmem:s30+$0x10] =	vst v19;
	s13 =	sadd.s32 $0x40, s13;
	v19 =	vmul.f32 v14, v0;
	v14 =	vsub.f32 v2, v14;
	v0 =	vmov v4  }
0x303: {  	s8 =	sadd.s32 $0x40, s8;
	s14 =	sadd.s32 $0x40, s14;
	v2 =	vmov v11;
	v21 =	vld [tilespmem:s13+$0x10]  }
0x304: {  	p0 =	slt.u32 s8, $0x240;
	v11 =	vmul.f32 v10, v5;
	v22 =	vld [tilespmem:s14+$0x10];
	vm1 =	vgt.f32 v19, $0.0e+00;
	v14 =	vmul.f32 v14, v6;
	v6 =	vmovc v12  }
0x305: {  	v17 =	vsub.f32 v17, v3;
	v4 =	vld [tilespmem:s14+$0xFFFFFFE0]  }
0x306: {  	vm2 =	vgt.f32 v11, $0.0e+00;
	v10 =	vsub.f32 v18, v10;
	v5 =	vld [tilespmem:s14+$0xFFFFFFF0];
	v11 =	vnsel vm1, $0x0, v14  }
0x307: {  	v12 =	vmul.f32 v16, v1;
	v3 =	vmovc v16;
	v1 =	vld [tilespmem:s14+$0x0];
	[tilespmem:s16+$0xFFFFFFE0] =	vst v11;
	v11 =	vmul.f32 v17, v8;
	v8 =	vmov v15  }
0x308: {  	v10 =	vmul.f32 v10, v13;
	v15 =	vld [tilespmem:s13+$0xFFFFFFE0]  }
0x309: {  	v13 =	vld [tilespmem:s20+$0xFFFFFFF0];
	(erf) = vrcp.f32 v22;
	v11 =	vnsel vm0, $0x0, v11;
	vm0 =	vgt.f32 v12, $0.0e+00  }
0x30a: {  	v10 =	vnsel vm2, $0x0, v10;
	v12 =	vld.idx.msk [tilespmem:v20+s3+$0x0], $0xffff;
	(erf) = vrcp.f32 v4;
	[tilespmem:s16+$0x0] =	vst v11;
	s16 =	smov.u32 s30  }
0x30b: {  	v16 =	vld.idx.msk [tilespmem:v21+s3+$0x0], $0xffff;
	(erf) = vrcp.f32 v5;
	[tilespmem:s30+$0xFFFFFFF0] =	vst v10  }
0x30c: {  	v18 =	vld [tilespmem:s13+$0xFFFFFFF0];
	(erf) = vrcp.f32 v1  }
0x30d: {  	v19 =	vld [tilespmem:s20+$0x0]  }
0x30e: {  	v20 =	vld [tilespmem:s13+$0x0]  }
0x30f: {  	v21 =	vld [tilespmem:s20+$0xFFFFFFE0]  }
0x310: {  	v14 =	vld.idx.msk [tilespmem:v9+s3+$0x0], $0xffff  }
.Ltmp8:
0x311: {  	v23 =	vsub.f32 v16, v12;
	v11 =	vld.idx.msk [tilespmem:v15+s3+$0x0], $0xffff;
	(pc) =	sbr.rel @p0 .LBB2_18-.Ltmp8, $4  }
0x312: {  	v16 =	vmul.f32 v12, v22;
	v10 =	vld.idx.msk [tilespmem:v13+s3+$0x0], $0xffff;
	v12 =	vpop (erf)  }
0x313: {  	v22 =	vmul.f32 v23, v12;
	v12 =	vpop (erf);
	v17 =	vld.idx.msk [tilespmem:v7+s3+$0x0], $0xffff;
	v7 =	vmov v20  }
0x314: {  	vm1 =	vgt.f32 v16, $0.0e+00;
	v18 =	vld.idx.msk [tilespmem:v18+s3+$0x0], $0xffff;
	v13 =	vpop (erf);
	v9 =	vmov v21  }
0x315: {  	s30 =	sadd.s32 $0x40, s30;
	s20 =	sadd.s32 $0x40, s20;
	v16 =	vld.idx.msk [tilespmem:v19+s3+$0x0], $0xffff;
	v19 =	vnsel vm1, $0x0, v22;
	v15 =	vpop (erf)  }
0x316: {  	_ =	sdelay $0x3  }
0x317: {  	v9 =	vld.idx.msk [tilespmem:v9+s3+$0x0], $0xffff  }
0x318: {  	v2 =	vsub.f32 v2, v14;
	v7 =	vld.idx.msk [tilespmem:v7+s3+$0x0], $0xffff  }
0x319: {  	v0 =	vmul.f32 v14, v0;
	v5 =	vmul.f32 v10, v5  }
0x31a: {  	v2 =	vmul.f32 v2, v6;
	v3 =	vsub.f32 v17, v3  }
0x31b: {  	vm1 =	vgt.f32 v0, $0.0e+00;
	vm2 =	vgt.f32 v5, $0.0e+00;
	v56 =	vsub.f32 v18, v10  }
0x31c: {  	v2 =	vnsel vm1, $0x0, v2;
	v3 =	vmul.f32 v3, v8;
	v57 =	vsub.f32 v11, v9  }
0x31d: {  	[tilespmem:s30+$0x10] =	vst v19;
	v0 =	vmul.f32 v56, v13;
	v4 =	vmul.f32 v9, v4;
	v58 =	vsub.f32 v7, v16  }
0x31e: {  	v1 =	vmul.f32 v16, v1;
	[tilespmem:s16+$0xFFFFFFE0] =	vst v2;
	v59 =	vnsel vm0, $0x0, v3;
	v60 =	vmul.f32 v57, v12  }
0x31f: {  	v0 =	vnsel vm2, $0x0, v0;
	[tilespmem:s16+$0x0] =	vst v59;
	vm14 =	vgt.f32 v4, $0.0e+00;
	v61 =	vmul.f32 v58, v15  }
0x320: {  	vm15 =	vgt.f32 v1, $0.0e+00;
	[tilespmem:s30+$0xFFFFFFF0] =	vst v0;
	v62 =	vnsel vm14, $0x0, v60  }
0x321: {  	v63 =	vnsel vm15, $0x0, v61;
	[tilespmem:s30+$0xFFFFFFE0] =	vst v62  }
0x322: {  	s8 =	simm.s32 $0x270;
	s13 =	simm.s32 $0x1E280;
	[tilespmem:s30+$0x0] =	vst v63  }
.LBB2_20:
0x323: {  	v0 =	vld [tilespmem:s18+$0x0]  }
0x324: {  	v1 =	vld [tilespmem:s4+$0x0]  }
0x325: {  	v2 =	vld [tilespmem:s11+$0x0];
	_ =	sdelay $0x4  }
0x326: {  	(erf) = vrcp.f32 v2;
	_ =	sdelay $0x1  }
0x327: {  	v0 =	vld.idx.msk [tilespmem:v0+s3+$0x0], $0xffff  }
0x328: {  	v1 =	vld.idx.msk [tilespmem:v1+s3+$0x0], $0xffff;
	_ =	sdelay $0x3  }
0x329: {  	s8 =	sadd.s32 $0x10, s8  }
0x32a: {  	p0 =	slt.u32 s8, $0x290;
	v1 =	vsub.f32 v1, v0  }
.Ltmp9:
0x32b: {  	v0 =	vmul.f32 v0, v2;
	v63 =	vpop (erf);
	(pc) =	sbr.rel @p0 .LBB2_20-.Ltmp9, $4  }
0x32c: {  	v1 =	vmul.f32 v1, v63  }
0x32d: {  	vm0 =	vgt.f32 v0, $0.0e+00  }
0x32e: {  	s11 =	sadd.s32 $0x10, s11;
	v0 =	vnsel vm0, $0x0, v1  }
0x32f: {  	s4 =	sadd.s32 $0x10, s4;
	s18 =	sadd.s32 $0x10, s18;
	[tilespmem:s13+$0x0] =	vst v0;
	s13 =	sadd.s32 $0x10, s13  }
0x330: {  	s13 =	simm.s32 $0x1DA00  }
0x331: {  	s4 =	simm.s32 $0x2A0;
	s8 =	simm.s32 $0x1E000;
	s14 =	simm.s32 $0xD  }
0x332: {  	[spmem:s2] =	stream.indirect.scatter.add.f32 [tilespmem:s8], [sflag:$0xD], $0x1, s13, s4, $0xb8;
	[tilespmem:$0x1FB80] =	vst v63  }
0x333: {  	_ =	swait.ge [sflag:s14], $0x2A0  }
0x334: {  	[sflag:s14] =	ssyncset.done $0x0  }
0x335: {  	s11 =	simm.s32 $0x8;
	[sflag:s14] =	ssyncadd.s32 $0xFFFFFD60  }
0x336: {  	_ =	swait.ge [sflag:s11], $0x400  }
0x337: {  	[sflag:s11] =	ssyncset.done $0x0  }
0x338: {  	s16 =	simm.s32 $0x9;
	[sflag:s11] =	ssyncadd.s32 $0xFFFFFC00  }
0x339: {  	_ =	swait.ge [sflag:s16], $0x400  }
0x33a: {  	[sflag:s16] =	ssyncset.done $0x0  }
0x33b: {  	s18 =	simm.s32 $0xA;
	[sflag:s16] =	ssyncadd.s32 $0xFFFFFC00  }
0x33c: {  	_ =	swait.ge [sflag:s18], $0x400  }
0x33d: {  	[sflag:s18] =	ssyncset.done $0x0  }
0x33e: {  	[sflag:s18] =	ssyncadd.s32 $0xFFFFFC00  }
0x33f: {  	_ =	swait.ge [sflag:s26], $0x400  }
0x340: {  	[sflag:s26] =	ssyncset.done $0x0  }
0x341: {  	[sflag:s26] =	ssyncadd.s32 $0xFFFFFC00  }
0x342: {  	_ =	swait.ge [sflag:s9], $0x400  }
0x343: {  	[sflag:s9] =	ssyncset.done $0x0  }
0x344: {  	[sflag:s9] =	ssyncadd.s32 $0xFFFFFC00  }
0x345: {  	[bflag:$0x0] =	sbarrier.arrive $0xFFFF  }
0x346: {  	s11 =	rddreg [dreg:$0xf]  }
0x347: {  	s20 =	rddreg [dreg:$0x11]  }
0x348: {  	s30 =	simm.s32 $0x20;
	s16 =	simm.s32 $0x10;
	s18 =	rddreg [dreg:$0x1d]  }
0x349: {  	[hbm:s20@s30], [sflag:s11] =	dma.strided [spmem:s18@s16], $0x310, s28, $0x10   }
0x34a: {  	_ =	swait.ge [sflag:s14], $0x310  }
0x34b: {  	s20 =	rddreg [dreg:$0x1c]  }
0x34c: {  	s30 =	rddreg [dreg:$0x12];
	s8 =	sadd.s32 $0x1, s20  }
0x34d: {  	p0 =	sne.s32 s8, s30  }
.Ltmp10:
0x34e: {  	_ = 	snop;
	(pc) =	sbr.rel @p0 .LBB2_1-.Ltmp10, $3  }
0x34f: {  	_ =	sdelay $0x1  }
0x350: {  	[sflag:s14] =	ssyncset.done $0x0  }
0x351: {  	[sflag:s14] =	ssyncadd.s32 $0xFFFFFCF0;
	s20 =	rddreg [dreg:$0x10]  }
0x352: {  	_ =	sfence.sel $0x180000  }
0x353: {  	[bflag:$0x0] =	sbarrier.arrive $0xFFFF  }
0x354: {  	_ =	strace $0x90000047  }
0x355: {  	s0 =	stileid.u32;
	[bflag:$0x2] =	sbarrier.arrive $0xFFFF  }
0x356: {  	p0 =	sne.s32 s0, $0x0;
	s0 =	rddreg [dreg:$0x3]  }
0x357: {  	s0 =	sadd.s32 @!p0 $0x100000, s0  }
0x358: {  	[sflag:s0] =	ssyncadd.tile.s32 @!p0 $0x1;
	_ =	shalt  }
.Lfunc_end2:
_tile_overlayer_lowered:
.L_overlay_start_2:
0x359: {  	(tag) =	ssettag $0x2  }
0x35a: {  	s0 =	rddreg [dreg:$0x0];
	s2 =	stileid.u32  }
0x35b: {  	s1 =	rddreg [dreg:$0x1];
	p0 =	sne.s32 s2, $0x0  }
0x35c: {  	s3 =	rddreg [dreg:$0x2];
	[bflag:$0x3] =	sbarrier.arrive $0xFFFF;
	s2 =	simm.s32 @!p0 $0x1C0D  }
0x35d: {  	[timem:s3], [sflag:s2] =	dma.local @!p0 [hbm:s0], s1  }
0x35e: {  	s0 =	simm.s32 @!p0 $0xD  }
0x35f: {  	_ =	swait.ge @!p0 [sflag:s0], s1  }
0x360: {  	s1 =	ssub.s32 @!p0 $0x0, s1;
	[sflag:s0] =	ssyncset.done @!p0 $0x0  }
0x361: {  	[sflag:s0] =	ssyncadd.s32 @!p0 s1  }
0x362: {  	[bflag:$0x3] =	sbarrier.arrive $0xFFFF  }
0x363: {  	_ =	shalt  }

</sc_bundles>
